<compile_context>
chip_gen: v7x
topology: tpu7x:2x2x1
jax: 0.10.2.dev20260603
libtpu: 0.0.44.dev20260713+nightly
codegen_flags: <defaults>
</compile_context>

<pallas_src>
import functools
import math

import jax
import jax.numpy as jnp
from jax import lax
from jax.experimental import pallas as pl
from jax.experimental.pallas import tpu as pltpu
from jax.experimental.pallas import tpu_sc as plsc

D_MODEL = 1024
SEQ = 4096
LANES = 16
NUM_CORES = 2
NUM_SUBCORES = 16
NW = NUM_CORES * NUM_SUBCORES
B_PER_W = SEQ // NW
EDGE = 16
MID = 32
N_MID = 3
COLS = D_MODEL // LANES
CBLK = 8
SCALE = math.sqrt(float(D_MODEL))


def _make_emb_kernel():
    mesh = plsc.VectorSubcoreMesh(core_axis_name="c", subcore_axis_name="s")

    @functools.partial(
        pl.kernel,
        mesh=mesh,
        out_type=jax.ShapeDtypeStruct((SEQ, 1, D_MODEL), jnp.float32),
        scratch_types=[
            pltpu.VMEM((B_PER_W,), jnp.int32),
            pltpu.VMEM((1, D_MODEL), jnp.float32),
            pltpu.VMEM((EDGE, D_MODEL), jnp.float32),
            pltpu.VMEM((N_MID * MID, D_MODEL), jnp.float32),
            pltpu.SemaphoreType.DMA,
            pltpu.SemaphoreType.DMA,
            pltpu.SemaphoreType.DMA((N_MID,)),
            pltpu.SemaphoreType.DMA((N_MID,)),
        ],
    )
    def emb_kernel(x_hbm, w_hbm, pe_hbm, out_hbm, idx_v, pe_v, edge, arena,
                   esem, oesem, gsems, osems):
        wid = lax.axis_index("s") * NUM_CORES + lax.axis_index("c")
        base = wid * B_PER_W
        pltpu.sync_copy(x_hbm.at[pl.ds(base, B_PER_W)], idx_v)

        def compute(buf, row0, nrows):
            def blk(ib, carry):
                col0 = ib * (CBLK * LANES)
                pv = [
                    pe_v[0, pl.ds(col0 + i * LANES, LANES)]
                    for i in range(CBLK)
                ]

                def body(j, carry2):
                    for i in range(CBLK):
                        sl = pl.ds(col0 + i * LANES, LANES)
                        buf[row0 + j, sl] = buf[row0 + j, sl] * SCALE + pv[i]
                    return carry2

                lax.fori_loop(0, nrows, body, 0)
                return carry

            lax.fori_loop(0, COLS // CBLK, blk, 0)

        g_head = pltpu.async_copy(
            w_hbm.at[idx_v.at[pl.ds(0, EDGE)]], edge, esem
        )
        for k in range(N_MID):
            pltpu.async_copy(
                w_hbm.at[idx_v.at[pl.ds(EDGE + k * MID, MID)]],
                arena.at[pl.ds(k * MID, MID)],
                gsems.at[k],
            )
        pltpu.sync_copy(pe_hbm.at[pl.ds(0, 1), 0], pe_v)

        g_head.wait()
        compute(edge, 0, EDGE)
        pltpu.async_copy(edge, out_hbm.at[pl.ds(base, EDGE), 0], oesem)

        def mid(k, carry):
            row0 = k * MID
            pltpu.make_async_copy(
                w_hbm.at[idx_v.at[pl.ds(0, MID)]],
                arena.at[pl.ds(row0, MID)],
                gsems.at[k],
            ).wait()
            compute(arena, row0, MID)
            pltpu.async_copy(
                arena.at[pl.ds(row0, MID)],
                out_hbm.at[pl.ds(base + EDGE + row0, MID), 0],
                osems.at[k],
            )

            @pl.when(k == 0)
            def _():
                pltpu.make_async_copy(
                    edge, out_hbm.at[pl.ds(base, EDGE), 0], oesem
                ).wait()
                pltpu.async_copy(
                    w_hbm.at[idx_v.at[pl.ds(B_PER_W - EDGE, EDGE)]],
                    edge,
                    esem,
                )

            return carry

        lax.fori_loop(0, N_MID, mid, 0)

        pltpu.make_async_copy(
            w_hbm.at[idx_v.at[pl.ds(B_PER_W - EDGE, EDGE)]], edge, esem
        ).wait()
        compute(edge, 0, EDGE)
        pltpu.async_copy(
            edge, out_hbm.at[pl.ds(base + B_PER_W - EDGE, EDGE), 0], oesem
        ).wait()

        def drain(k, carry):
            pltpu.make_async_copy(
                arena.at[pl.ds(0, MID)],
                out_hbm.at[pl.ds(base + EDGE, MID), 0],
                osems.at[k],
            ).wait()
            return carry

        lax.fori_loop(0, N_MID, drain, 0)

    return emb_kernel


_emb = _make_emb_kernel()


@jax.jit
def kernel(x, W, pe):
    return _emb(x.reshape(-1).astype(jnp.int32), W, pe)

# --- scband reference (transcript-rebuilt; emitter-appended) ---
"""Pipeline reference for scband-embedding-with-positional-encoding-83133386982025 (READ-ONLY COPY).

The authoritative reference and input builder live on the scoring server;
editing this copy changes nothing except your own understanding.
"""

import math
import jax, jax.numpy as jnp
import numpy as np

D_MODEL = 1024
N_VOCAB = 100000
MAX_LEN = 5000
SEQ_LEN = 4096
BATCH = 1


def get_positional_encoding(d_model, max_len=5000):
    position = np.arange(0, max_len, dtype=np.float32)[:, None]
    two_i = np.arange(0, d_model, 2, dtype=np.float32)
    div_term = np.exp(two_i * -(math.log(10000.0) / d_model))
    enc = np.zeros((max_len, d_model), dtype=np.float32)
    enc[:, 0::2] = np.sin(position * div_term)
    enc[:, 1::2] = np.cos(position * div_term)
    # matches torch .unsqueeze(1): [max_len, 1, d_model]
    return jnp.asarray(enc)[:, None, :]


def setup_inputs(seed: int = 0) -> dict:
    key = jax.random.key(seed)
    k1, k2 = jax.random.split(key)
    x = jax.random.randint(k1, (SEQ_LEN, BATCH), 0, N_VOCAB)
    # nn.Embedding default init: N(0, 1)
    W = jax.random.normal(k2, (N_VOCAB, D_MODEL), dtype=jnp.float32)
    pe = get_positional_encoding(D_MODEL, MAX_LEN)
    return {"x": x, "W": W, "pe": pe}


def reference(x, W, pe):
    d_model = W.shape[1]
    # faithful to original: slices the buffer by x.shape[1]
    pe_slice = jax.lax.stop_gradient(pe[: x.shape[1]])
    emb = jnp.take(W, x, axis=0)  # [seq, batch, d_model]
    return emb * math.sqrt(d_model) + pe_slice

if __name__ == "__main__":
    import jax
    _d = setup_inputs()
    print(jax.jit(kernel)(*tuple(_d.values())))

</pallas_src>

<mosaic_0001>
#map = affine_map<(d0, d1) -> (0)>
#map1 = affine_map<(d0, d1) -> (0, 0)>
#map2 = affine_map<(d0, d1) -> (0, 0, 0)>
module attributes {stable_mosaic.version = 14 : i64} {
  func.func @emb_kernel(%arg0: i32, %arg1: i32, %arg2: memref<4096xi32, #tpu.memory_space<hbm>>, %arg3: memref<100000x1024xf32, #tpu.memory_space<hbm>>, %arg4: memref<5000x1x1024xf32, #tpu.memory_space<hbm>>, %arg5: memref<4096x1x1024xf32, #tpu.memory_space<hbm>>, %arg6: memref<128xi32, #tpu.memory_space<vmem>>, %arg7: memref<1x1024xf32, #tpu.memory_space<vmem>>, %arg8: memref<16x1024xf32, #tpu.memory_space<vmem>>, %arg9: memref<96x1024xf32, #tpu.memory_space<vmem>>, %arg10: memref<!tpu.dma_semaphore, #tpu.memory_space<semaphore_mem>>, %arg11: memref<!tpu.dma_semaphore, #tpu.memory_space<semaphore_mem>>, %arg12: memref<3x!tpu.dma_semaphore, #tpu.memory_space<semaphore_mem>>, %arg13: memref<3x!tpu.dma_semaphore, #tpu.memory_space<semaphore_mem>>) attributes {dimension_semantics = [#tpu.dimension_semantics<core_parallel>, #tpu.dimension_semantics<subcore_parallel>], iteration_bounds = array<i64: 2, 16>, scalar_prefetch = 0 : i64, scratch_operands = 8 : i64, tpu.core_type = #tpu.core_type<sc_vector_subcore>, window_params = [{transform_indices = #map}, {transform_indices = #map1}, {transform_indices = #map2}, {transform_indices = #map2}]} {
    %mul3A = arith.constant 2 : i32
    %mul3A_0 = arith.muli %arg1, %mul3A : i32
    %add3A = arith.addi %mul3A_0, %arg0 : i32
    %mul3A_1 = arith.constant 128 : i32
    %mul3A_2 = arith.muli %add3A, %mul3A_1 : i32
    "tpu.region"() ({
      %run_scoped3A_96 = tpu.sem_alloc : memref<!tpu.dma_semaphore, #tpu.memory_space<semaphore_mem>>
      %dma_start3A_97 = tpu.memref_slice %arg2[%mul3A_2] : memref<4096xi32, #tpu.memory_space<hbm>> -> memref<128xi32, #tpu.memory_space<hbm>>
      %dma_start3A_98 = tpu.memref_slice %arg2[%mul3A_2] : memref<4096xi32, #tpu.memory_space<hbm>> -> memref<128xi32, #tpu.memory_space<hbm>>
      tpu.enqueue_dma source(%dma_start3A_98 : memref<128xi32, #tpu.memory_space<hbm>>) target(%arg6 : memref<128xi32, #tpu.memory_space<vmem>>) target_semaphore(%run_scoped3A_96 : memref<!tpu.dma_semaphore, #tpu.memory_space<semaphore_mem>>)
      %dma_wait3A_99 = tpu.memref_slice %arg2[%mul3A_2] : memref<4096xi32, #tpu.memory_space<hbm>> -> memref<128xi32, #tpu.memory_space<hbm>>
      %dma_wait3A_100 = tpu.memref_slice %arg2[%mul3A_2] : memref<4096xi32, #tpu.memory_space<hbm>> -> memref<128xi32, #tpu.memory_space<hbm>>
      tpu.wait_dma2 semaphore(%run_scoped3A_96 : memref<!tpu.dma_semaphore, #tpu.memory_space<semaphore_mem>>) src(%dma_wait3A_100 : memref<128xi32, #tpu.memory_space<hbm>>) dst(%arg6 : memref<128xi32, #tpu.memory_space<vmem>>)
      tpu.yield
    }) : () -> ()
    %dma_start3A = arith.constant 0 : i32
    %dma_start3A_3 = tpu.memref_slice %arg6[%dma_start3A] : memref<128xi32, #tpu.memory_space<vmem>> -> memref<16xi32, #tpu.memory_space<vmem>>
    %dma_start3A_4 = arith.constant 0 : i32
    %dma_start3A_5 = arith.constant 0 : i32
    %dma_start3A_6 = tpu.memref_slice %arg3[%dma_start3A_4, %dma_start3A_5] : memref<100000x1024xf32, #tpu.memory_space<hbm>> -> memref<100000x1024xf32, #tpu.memory_space<hbm>>
    tpu.enqueue_indirect_dma source(%dma_start3A_6 : memref<100000x1024xf32, #tpu.memory_space<hbm>>) target(%arg8 : memref<16x1024xf32, #tpu.memory_space<vmem>>) offsets(%dma_start3A_3 : memref<16xi32, #tpu.memory_space<vmem>>) semaphore(%arg10 : memref<!tpu.dma_semaphore, #tpu.memory_space<semaphore_mem>>)
    %dma_start3A_7 = arith.constant 0 : i32
    %dma_start3A_8 = arith.constant 0 : i32
    %dma_start3A_9 = arith.constant 0 : i32
    %dma_start3A_10 = tpu.memref_slice %arg9[%dma_start3A_8, %dma_start3A_9] : memref<96x1024xf32, #tpu.memory_space<vmem>> -> memref<32x1024xf32, #tpu.memory_space<vmem>>
    %dma_start3A_11 = arith.constant 16 : i32
    %dma_start3A_12 = tpu.memref_slice %arg6[%dma_start3A_11] : memref<128xi32, #tpu.memory_space<vmem>> -> memref<32xi32, #tpu.memory_space<vmem>>
    %dma_start3A_13 = arith.constant 0 : i32
    %dma_start3A_14 = arith.constant 0 : i32
    %dma_start3A_15 = tpu.memref_slice %arg3[%dma_start3A_13, %dma_start3A_14] : memref<100000x1024xf32, #tpu.memory_space<hbm>> -> memref<100000x1024xf32, #tpu.memory_space<hbm>>
    %dma_start3A_16 = tpu.memref_slice %arg12[%dma_start3A_7] : memref<3x!tpu.dma_semaphore, #tpu.memory_space<semaphore_mem>> -> memref<1x!tpu.dma_semaphore, #tpu.memory_space<semaphore_mem>>
    %dma_start3A_17 = tpu.memref_squeeze %dma_start3A_16 : memref<1x!tpu.dma_semaphore, #tpu.memory_space<semaphore_mem>> -> memref<!tpu.dma_semaphore, #tpu.memory_space<semaphore_mem>>
    tpu.enqueue_indirect_dma source(%dma_start3A_15 : memref<100000x1024xf32, #tpu.memory_space<hbm>>) target(%dma_start3A_10 : memref<32x1024xf32, #tpu.memory_space<vmem>>) offsets(%dma_start3A_12 : memref<32xi32, #tpu.memory_space<vmem>>) semaphore(%dma_start3A_17 : memref<!tpu.dma_semaphore, #tpu.memory_space<semaphore_mem>>)
    %dma_start3A_18 = arith.constant 1 : i32
    %dma_start3A_19 = arith.constant 32 : i32
    %dma_start3A_20 = arith.constant 0 : i32
    %dma_start3A_21 = tpu.memref_slice %arg9[%dma_start3A_19, %dma_start3A_20] : memref<96x1024xf32, #tpu.memory_space<vmem>> -> memref<32x1024xf32, #tpu.memory_space<vmem>>
    %dma_start3A_22 = arith.constant 48 : i32
    %dma_start3A_23 = tpu.memref_slice %arg6[%dma_start3A_22] : memref<128xi32, #tpu.memory_space<vmem>> -> memref<32xi32, #tpu.memory_space<vmem>>
    %dma_start3A_24 = arith.constant 0 : i32
    %dma_start3A_25 = arith.constant 0 : i32
    %dma_start3A_26 = tpu.memref_slice %arg3[%dma_start3A_24, %dma_start3A_25] : memref<100000x1024xf32, #tpu.memory_space<hbm>> -> memref<100000x1024xf32, #tpu.memory_space<hbm>>
    %dma_start3A_27 = tpu.memref_slice %arg12[%dma_start3A_18] : memref<3x!tpu.dma_semaphore, #tpu.memory_space<semaphore_mem>> -> memref<1x!tpu.dma_semaphore, #tpu.memory_space<semaphore_mem>>
    %dma_start3A_28 = tpu.memref_squeeze %dma_start3A_27 : memref<1x!tpu.dma_semaphore, #tpu.memory_space<semaphore_mem>> -> memref<!tpu.dma_semaphore, #tpu.memory_space<semaphore_mem>>
    tpu.enqueue_indirect_dma source(%dma_start3A_26 : memref<100000x1024xf32, #tpu.memory_space<hbm>>) target(%dma_start3A_21 : memref<32x1024xf32, #tpu.memory_space<vmem>>) offsets(%dma_start3A_23 : memref<32xi32, #tpu.memory_space<vmem>>) semaphore(%dma_start3A_28 : memref<!tpu.dma_semaphore, #tpu.memory_space<semaphore_mem>>)
    %dma_start3A_29 = arith.constant 2 : i32
    %dma_start3A_30 = arith.constant 64 : i32
    %dma_start3A_31 = arith.constant 0 : i32
    %dma_start3A_32 = tpu.memref_slice %arg9[%dma_start3A_30, %dma_start3A_31] : memref<96x1024xf32, #tpu.memory_space<vmem>> -> memref<32x1024xf32, #tpu.memory_space<vmem>>
    %dma_start3A_33 = arith.constant 80 : i32
    %dma_start3A_34 = tpu.memref_slice %arg6[%dma_start3A_33] : memref<128xi32, #tpu.memory_space<vmem>> -> memref<32xi32, #tpu.memory_space<vmem>>
    %dma_start3A_35 = arith.constant 0 : i32
    %dma_start3A_36 = arith.constant 0 : i32
    %dma_start3A_37 = tpu.memref_slice %arg3[%dma_start3A_35, %dma_start3A_36] : memref<100000x1024xf32, #tpu.memory_space<hbm>> -> memref<100000x1024xf32, #tpu.memory_space<hbm>>
    %dma_start3A_38 = tpu.memref_slice %arg12[%dma_start3A_29] : memref<3x!tpu.dma_semaphore, #tpu.memory_space<semaphore_mem>> -> memref<1x!tpu.dma_semaphore, #tpu.memory_space<semaphore_mem>>
    %dma_start3A_39 = tpu.memref_squeeze %dma_start3A_38 : memref<1x!tpu.dma_semaphore, #tpu.memory_space<semaphore_mem>> -> memref<!tpu.dma_semaphore, #tpu.memory_space<semaphore_mem>>
    tpu.enqueue_indirect_dma source(%dma_start3A_37 : memref<100000x1024xf32, #tpu.memory_space<hbm>>) target(%dma_start3A_32 : memref<32x1024xf32, #tpu.memory_space<vmem>>) offsets(%dma_start3A_34 : memref<32xi32, #tpu.memory_space<vmem>>) semaphore(%dma_start3A_39 : memref<!tpu.dma_semaphore, #tpu.memory_space<semaphore_mem>>)
    %run_scoped3A = arith.constant 0 : i32
    "tpu.region"() ({
      %run_scoped3A_96 = tpu.sem_alloc : memref<!tpu.dma_semaphore, #tpu.memory_space<semaphore_mem>>
      %dma_start3A_97 = arith.constant 0 : i32
      %dma_start3A_98 = arith.constant 0 : i32
      %dma_start3A_99 = tpu.memref_slice %arg4[%dma_start3A_97, %run_scoped3A, %dma_start3A_98] : memref<5000x1x1024xf32, #tpu.memory_space<hbm>> -> memref<1x1x1024xf32, #tpu.memory_space<hbm>>
      %dma_start3A_100 = tpu.memref_squeeze %dma_start3A_99 : memref<1x1x1024xf32, #tpu.memory_space<hbm>> -> memref<1x1024xf32, #tpu.memory_space<hbm>>
      %dma_start3A_101 = arith.constant 0 : i32
      %dma_start3A_102 = arith.constant 0 : i32
      %dma_start3A_103 = tpu.memref_slice %arg4[%dma_start3A_101, %run_scoped3A, %dma_start3A_102] : memref<5000x1x1024xf32, #tpu.memory_space<hbm>> -> memref<1x1x1024xf32, #tpu.memory_space<hbm>>
      %dma_start3A_104 = tpu.memref_squeeze %dma_start3A_103 : memref<1x1x1024xf32, #tpu.memory_space<hbm>> -> memref<1x1024xf32, #tpu.memory_space<hbm>>
      tpu.enqueue_dma source(%dma_start3A_104 : memref<1x1024xf32, #tpu.memory_space<hbm>>) target(%arg7 : memref<1x1024xf32, #tpu.memory_space<vmem>>) target_semaphore(%run_scoped3A_96 : memref<!tpu.dma_semaphore, #tpu.memory_space<semaphore_mem>>)
      %dma_wait3A_105 = arith.constant 0 : i32
      %dma_wait3A_106 = arith.constant 0 : i32
      %dma_wait3A_107 = tpu.memref_slice %arg4[%dma_wait3A_105, %run_scoped3A, %dma_wait3A_106] : memref<5000x1x1024xf32, #tpu.memory_space<hbm>> -> memref<1x1x1024xf32, #tpu.memory_space<hbm>>
      %dma_wait3A_108 = tpu.memref_squeeze %dma_wait3A_107 : memref<1x1x1024xf32, #tpu.memory_space<hbm>> -> memref<1x1024xf32, #tpu.memory_space<hbm>>
      %dma_wait3A_109 = arith.constant 0 : i32
      %dma_wait3A_110 = arith.constant 0 : i32
      %dma_wait3A_111 = tpu.memref_slice %arg4[%dma_wait3A_109, %run_scoped3A, %dma_wait3A_110] : memref<5000x1x1024xf32, #tpu.memory_space<hbm>> -> memref<1x1x1024xf32, #tpu.memory_space<hbm>>
      %dma_wait3A_112 = tpu.memref_squeeze %dma_wait3A_111 : memref<1x1x1024xf32, #tpu.memory_space<hbm>> -> memref<1x1024xf32, #tpu.memory_space<hbm>>
      tpu.wait_dma2 semaphore(%run_scoped3A_96 : memref<!tpu.dma_semaphore, #tpu.memory_space<semaphore_mem>>) src(%dma_wait3A_112 : memref<1x1024xf32, #tpu.memory_space<hbm>>) dst(%arg7 : memref<1x1024xf32, #tpu.memory_space<vmem>>)
      tpu.yield
    }) : () -> ()
    %dma_wait3A = arith.constant 0 : i32
    %dma_wait3A_40 = tpu.memref_slice %arg6[%dma_wait3A] : memref<128xi32, #tpu.memory_space<vmem>> -> memref<16xi32, #tpu.memory_space<vmem>>
    %dma_wait3A_41 = arith.constant 0 : i32
    %dma_wait3A_42 = arith.constant 0 : i32
    %dma_wait3A_43 = tpu.memref_slice %arg3[%dma_wait3A_41, %dma_wait3A_42] : memref<100000x1024xf32, #tpu.memory_space<hbm>> -> memref<100000x1024xf32, #tpu.memory_space<hbm>>
    tpu.wait_indirect_dma semaphore(%arg10 : memref<!tpu.dma_semaphore, #tpu.memory_space<semaphore_mem>>) src(%dma_wait3A_43 : memref<100000x1024xf32, #tpu.memory_space<hbm>>) dst(%arg8 : memref<16x1024xf32, #tpu.memory_space<vmem>>)
    %scan3A = arith.constant 0 : i32
    %scan3A_44 = arith.constant 0 : i32
    %scan3A_45 = arith.constant 8 : i32
    %scan3A_46 = arith.addi %scan3A_44, %scan3A_45 : i32
    %scan3A_47 = arith.constant 1 : i32
    scf.for %scan3A_96 = %scan3A_44 to %scan3A_46 step %scan3A_47  : i32 {
      %mul3A_97 = arith.constant 128 : i32
      %mul3A_98 = arith.muli %scan3A_96, %mul3A_97 : i32
      %add3A_99 = arith.constant 0 : i32
      %add3A_100 = arith.addi %mul3A_98, %add3A_99 : i32
      %get3A = arith.constant 0 : i32
      %get3A_101 = arith.index_cast %get3A : i32 to index
      %get3A_102 = arith.index_cast %add3A_100 : i32 to index
      %get3A_103 = tpu.vector_load %arg7[%get3A_101, %get3A_102] {strides = array<i32>} : memref<1x1024xf32, #tpu.memory_space<vmem>>, vector<1x16xf32>,
      %get3A_104 = vector.shape_cast %get3A_103 : vector<1x16xf32> to vector<16xf32>
      %add3A_105 = arith.constant 16 : i32
      %add3A_106 = arith.addi %mul3A_98, %add3A_105 : i32
      %get3A_107 = arith.constant 0 : i32
      %get3A_108 = arith.index_cast %get3A_107 : i32 to index
      %get3A_109 = arith.index_cast %add3A_106 : i32 to index
      %get3A_110 = tpu.vector_load %arg7[%get3A_108, %get3A_109] {strides = array<i32>} : memref<1x1024xf32, #tpu.memory_space<vmem>>, vector<1x16xf32>,
      %get3A_111 = vector.shape_cast %get3A_110 : vector<1x16xf32> to vector<16xf32>
      %add3A_112 = arith.constant 32 : i32
      %add3A_113 = arith.addi %mul3A_98, %add3A_112 : i32
      %get3A_114 = arith.constant 0 : i32
      %get3A_115 = arith.index_cast %get3A_114 : i32 to index
      %get3A_116 = arith.index_cast %add3A_113 : i32 to index
      %get3A_117 = tpu.vector_load %arg7[%get3A_115, %get3A_116] {strides = array<i32>} : memref<1x1024xf32, #tpu.memory_space<vmem>>, vector<1x16xf32>,
      %get3A_118 = vector.shape_cast %get3A_117 : vector<1x16xf32> to vector<16xf32>
      %add3A_119 = arith.constant 48 : i32
      %add3A_120 = arith.addi %mul3A_98, %add3A_119 : i32
      %get3A_121 = arith.constant 0 : i32
      %get3A_122 = arith.index_cast %get3A_121 : i32 to index
      %get3A_123 = arith.index_cast %add3A_120 : i32 to index
      %get3A_124 = tpu.vector_load %arg7[%get3A_122, %get3A_123] {strides = array<i32>} : memref<1x1024xf32, #tpu.memory_space<vmem>>, vector<1x16xf32>,
      %get3A_125 = vector.shape_cast %get3A_124 : vector<1x16xf32> to vector<16xf32>
      %add3A_126 = arith.constant 64 : i32
      %add3A_127 = arith.addi %mul3A_98, %add3A_126 : i32
      %get3A_128 = arith.constant 0 : i32
      %get3A_129 = arith.index_cast %get3A_128 : i32 to index
      %get3A_130 = arith.index_cast %add3A_127 : i32 to index
      %get3A_131 = tpu.vector_load %arg7[%get3A_129, %get3A_130] {strides = array<i32>} : memref<1x1024xf32, #tpu.memory_space<vmem>>, vector<1x16xf32>,
      %get3A_132 = vector.shape_cast %get3A_131 : vector<1x16xf32> to vector<16xf32>
      %add3A_133 = arith.constant 80 : i32
      %add3A_134 = arith.addi %mul3A_98, %add3A_133 : i32
      %get3A_135 = arith.constant 0 : i32
      %get3A_136 = arith.index_cast %get3A_135 : i32 to index
      %get3A_137 = arith.index_cast %add3A_134 : i32 to index
      %get3A_138 = tpu.vector_load %arg7[%get3A_136, %get3A_137] {strides = array<i32>} : memref<1x1024xf32, #tpu.memory_space<vmem>>, vector<1x16xf32>,
      %get3A_139 = vector.shape_cast %get3A_138 : vector<1x16xf32> to vector<16xf32>
      %add3A_140 = arith.constant 96 : i32
      %add3A_141 = arith.addi %mul3A_98, %add3A_140 : i32
      %get3A_142 = arith.constant 0 : i32
      %get3A_143 = arith.index_cast %get3A_142 : i32 to index
      %get3A_144 = arith.index_cast %add3A_141 : i32 to index
      %get3A_145 = tpu.vector_load %arg7[%get3A_143, %get3A_144] {strides = array<i32>} : memref<1x1024xf32, #tpu.memory_space<vmem>>, vector<1x16xf32>,
      %get3A_146 = vector.shape_cast %get3A_145 : vector<1x16xf32> to vector<16xf32>
      %add3A_147 = arith.constant 112 : i32
      %add3A_148 = arith.addi %mul3A_98, %add3A_147 : i32
      %get3A_149 = arith.constant 0 : i32
      %get3A_150 = arith.index_cast %get3A_149 : i32 to index
      %get3A_151 = arith.index_cast %add3A_148 : i32 to index
      %get3A_152 = tpu.vector_load %arg7[%get3A_150, %get3A_151] {strides = array<i32>} : memref<1x1024xf32, #tpu.memory_space<vmem>>, vector<1x16xf32>,
      %get3A_153 = vector.shape_cast %get3A_152 : vector<1x16xf32> to vector<16xf32>
      %scan3A_154 = arith.constant 0 : i32
      %scan3A_155 = arith.constant 0 : i32
      %scan3A_156 = arith.constant 16 : i32
      %scan3A_157 = arith.addi %scan3A_155, %scan3A_156 : i32
      %scan3A_158 = arith.constant 1 : i32
      scf.for %scan3A_160 = %scan3A_155 to %scan3A_157 step %scan3A_158  : i32 {
        %add3A_161 = arith.constant 0 : i32
        %add3A_162 = arith.addi %mul3A_98, %add3A_161 : i32
        %add3A_163 = arith.constant 0 : i32
        %add3A_164 = arith.addi %add3A_163, %scan3A_160 : i32
        %get3A_165 = arith.index_cast %add3A_164 : i32 to index
        %get3A_166 = arith.index_cast %add3A_162 : i32 to index
        %get3A_167 = tpu.vector_load %arg8[%get3A_165, %get3A_166] {strides = array<i32>} : memref<16x1024xf32, #tpu.memory_space<vmem>>, vector<1x16xf32>,
        %get3A_168 = vector.shape_cast %get3A_167 : vector<1x16xf32> to vector<16xf32>
        %mul3A_169 = arith.constant 3.200000e+01 : f32
        %mul3A_170 = vector.broadcast %mul3A_169 : f32 to vector<16xf32>
        %mul3A_171 = arith.mulf %get3A_168, %mul3A_170 : vector<16xf32>
        %add3A_172 = arith.addf %mul3A_171, %get3A_104 : vector<16xf32>
        %add3A_173 = arith.constant 0 : i32
        %add3A_174 = arith.addi %add3A_173, %scan3A_160 : i32
        %swap3A = arith.index_cast %add3A_174 : i32 to index
        %swap3A_175 = arith.index_cast %add3A_162 : i32 to index
        %swap3A_176 = tpu.vector_load %arg8[%swap3A, %swap3A_175] {strides = array<i32>} : memref<16x1024xf32, #tpu.memory_space<vmem>>, vector<1x16xf32>,
        %swap3A_177 = vector.shape_cast %swap3A_176 : vector<1x16xf32> to vector<16xf32>
        %swap3A_178 = vector.shape_cast %add3A_172 : vector<16xf32> to vector<1x16xf32>
        tpu.vector_store %arg8[%swap3A, %swap3A_175], %swap3A_178 {strides = array<i32>} : memref<16x1024xf32, #tpu.memory_space<vmem>>, vector<1x16xf32>,
        %add3A_179 = arith.constant 16 : i32
        %add3A_180 = arith.addi %mul3A_98, %add3A_179 : i32
        %add3A_181 = arith.constant 0 : i32
        %add3A_182 = arith.addi %add3A_181, %scan3A_160 : i32
        %get3A_183 = arith.index_cast %add3A_182 : i32 to index
        %get3A_184 = arith.index_cast %add3A_180 : i32 to index
        %get3A_185 = tpu.vector_load %arg8[%get3A_183, %get3A_184] {strides = array<i32>} : memref<16x1024xf32, #tpu.memory_space<vmem>>, vector<1x16xf32>,
        %get3A_186 = vector.shape_cast %get3A_185 : vector<1x16xf32> to vector<16xf32>
        %mul3A_187 = arith.constant 3.200000e+01 : f32
        %mul3A_188 = vector.broadcast %mul3A_187 : f32 to vector<16xf32>
        %mul3A_189 = arith.mulf %get3A_186, %mul3A_188 : vector<16xf32>
        %add3A_190 = arith.addf %mul3A_189, %get3A_111 : vector<16xf32>
        %add3A_191 = arith.constant 0 : i32
        %add3A_192 = arith.addi %add3A_191, %scan3A_160 : i32
        %swap3A_193 = arith.index_cast %add3A_192 : i32 to index
        %swap3A_194 = arith.index_cast %add3A_180 : i32 to index
        %swap3A_195 = tpu.vector_load %arg8[%swap3A_193, %swap3A_194] {strides = array<i32>} : memref<16x1024xf32, #tpu.memory_space<vmem>>, vector<1x16xf32>,
        %swap3A_196 = vector.shape_cast %swap3A_195 : vector<1x16xf32> to vector<16xf32>
        %swap3A_197 = vector.shape_cast %add3A_190 : vector<16xf32> to vector<1x16xf32>
        tpu.vector_store %arg8[%swap3A_193, %swap3A_194], %swap3A_197 {strides = array<i32>} : memref<16x1024xf32, #tpu.memory_space<vmem>>, vector<1x16xf32>,
        %add3A_198 = arith.constant 32 : i32
        %add3A_199 = arith.addi %mul3A_98, %add3A_198 : i32
        %add3A_200 = arith.constant 0 : i32
        %add3A_201 = arith.addi %add3A_200, %scan3A_160 : i32
        %get3A_202 = arith.index_cast %add3A_201 : i32 to index
        %get3A_203 = arith.index_cast %add3A_199 : i32 to index
        %get3A_204 = tpu.vector_load %arg8[%get3A_202, %get3A_203] {strides = array<i32>} : memref<16x1024xf32, #tpu.memory_space<vmem>>, vector<1x16xf32>,
        %get3A_205 = vector.shape_cast %get3A_204 : vector<1x16xf32> to vector<16xf32>
        %mul3A_206 = arith.constant 3.200000e+01 : f32
        %mul3A_207 = vector.broadcast %mul3A_206 : f32 to vector<16xf32>
        %mul3A_208 = arith.mulf %get3A_205, %mul3A_207 : vector<16xf32>
        %add3A_209 = arith.addf %mul3A_208, %get3A_118 : vector<16xf32>
        %add3A_210 = arith.constant 0 : i32
        %add3A_211 = arith.addi %add3A_210, %scan3A_160 : i32
        %swap3A_212 = arith.index_cast %add3A_211 : i32 to index
        %swap3A_213 = arith.index_cast %add3A_199 : i32 to index
        %swap3A_214 = tpu.vector_load %arg8[%swap3A_212, %swap3A_213] {strides = array<i32>} : memref<16x1024xf32, #tpu.memory_space<vmem>>, vector<1x16xf32>,
        %swap3A_215 = vector.shape_cast %swap3A_214 : vector<1x16xf32> to vector<16xf32>
        %swap3A_216 = vector.shape_cast %add3A_209 : vector<16xf32> to vector<1x16xf32>
        tpu.vector_store %arg8[%swap3A_212, %swap3A_213], %swap3A_216 {strides = array<i32>} : memref<16x1024xf32, #tpu.memory_space<vmem>>, vector<1x16xf32>,
        %add3A_217 = arith.constant 48 : i32
        %add3A_218 = arith.addi %mul3A_98, %add3A_217 : i32
        %add3A_219 = arith.constant 0 : i32
        %add3A_220 = arith.addi %add3A_219, %scan3A_160 : i32
        %get3A_221 = arith.index_cast %add3A_220 : i32 to index
        %get3A_222 = arith.index_cast %add3A_218 : i32 to index
        %get3A_223 = tpu.vector_load %arg8[%get3A_221, %get3A_222] {strides = array<i32>} : memref<16x1024xf32, #tpu.memory_space<vmem>>, vector<1x16xf32>,
        %get3A_224 = vector.shape_cast %get3A_223 : vector<1x16xf32> to vector<16xf32>
        %mul3A_225 = arith.constant 3.200000e+01 : f32
        %mul3A_226 = vector.broadcast %mul3A_225 : f32 to vector<16xf32>
        %mul3A_227 = arith.mulf %get3A_224, %mul3A_226 : vector<16xf32>
        %add3A_228 = arith.addf %mul3A_227, %get3A_125 : vector<16xf32>
        %add3A_229 = arith.constant 0 : i32
        %add3A_230 = arith.addi %add3A_229, %scan3A_160 : i32
        %swap3A_231 = arith.index_cast %add3A_230 : i32 to index
        %swap3A_232 = arith.index_cast %add3A_218 : i32 to index
        %swap3A_233 = tpu.vector_load %arg8[%swap3A_231, %swap3A_232] {strides = array<i32>} : memref<16x1024xf32, #tpu.memory_space<vmem>>, vector<1x16xf32>,
        %swap3A_234 = vector.shape_cast %swap3A_233 : vector<1x16xf32> to vector<16xf32>
        %swap3A_235 = vector.shape_cast %add3A_228 : vector<16xf32> to vector<1x16xf32>
        tpu.vector_store %arg8[%swap3A_231, %swap3A_232], %swap3A_235 {strides = array<i32>} : memref<16x1024xf32, #tpu.memory_space<vmem>>, vector<1x16xf32>,
        %add3A_236 = arith.constant 64 : i32
        %add3A_237 = arith.addi %mul3A_98, %add3A_236 : i32
        %add3A_238 = arith.constant 0 : i32
        %add3A_239 = arith.addi %add3A_238, %scan3A_160 : i32
        %get3A_240 = arith.index_cast %add3A_239 : i32 to index
        %get3A_241 = arith.index_cast %add3A_237 : i32 to index
        %get3A_242 = tpu.vector_load %arg8[%get3A_240, %get3A_241] {strides = array<i32>} : memref<16x1024xf32, #tpu.memory_space<vmem>>, vector<1x16xf32>,
        %get3A_243 = vector.shape_cast %get3A_242 : vector<1x16xf32> to vector<16xf32>
        %mul3A_244 = arith.constant 3.200000e+01 : f32
        %mul3A_245 = vector.broadcast %mul3A_244 : f32 to vector<16xf32>
        %mul3A_246 = arith.mulf %get3A_243, %mul3A_245 : vector<16xf32>
        %add3A_247 = arith.addf %mul3A_246, %get3A_132 : vector<16xf32>
        %add3A_248 = arith.constant 0 : i32
        %add3A_249 = arith.addi %add3A_248, %scan3A_160 : i32
        %swap3A_250 = arith.index_cast %add3A_249 : i32 to index
        %swap3A_251 = arith.index_cast %add3A_237 : i32 to index
        %swap3A_252 = tpu.vector_load %arg8[%swap3A_250, %swap3A_251] {strides = array<i32>} : memref<16x1024xf32, #tpu.memory_space<vmem>>, vector<1x16xf32>,
        %swap3A_253 = vector.shape_cast %swap3A_252 : vector<1x16xf32> to vector<16xf32>
        %swap3A_254 = vector.shape_cast %add3A_247 : vector<16xf32> to vector<1x16xf32>
        tpu.vector_store %arg8[%swap3A_250, %swap3A_251], %swap3A_254 {strides = array<i32>} : memref<16x1024xf32, #tpu.memory_space<vmem>>, vector<1x16xf32>,
        %add3A_255 = arith.constant 80 : i32
        %add3A_256 = arith.addi %mul3A_98, %add3A_255 : i32
        %add3A_257 = arith.constant 0 : i32
        %add3A_258 = arith.addi %add3A_257, %scan3A_160 : i32
        %get3A_259 = arith.index_cast %add3A_258 : i32 to index
        %get3A_260 = arith.index_cast %add3A_256 : i32 to index
        %get3A_261 = tpu.vector_load %arg8[%get3A_259, %get3A_260] {strides = array<i32>} : memref<16x1024xf32, #tpu.memory_space<vmem>>, vector<1x16xf32>,
        %get3A_262 = vector.shape_cast %get3A_261 : vector<1x16xf32> to vector<16xf32>
        %mul3A_263 = arith.constant 3.200000e+01 : f32
        %mul3A_264 = vector.broadcast %mul3A_263 : f32 to vector<16xf32>
        %mul3A_265 = arith.mulf %get3A_262, %mul3A_264 : vector<16xf32>
        %add3A_266 = arith.addf %mul3A_265, %get3A_139 : vector<16xf32>
        %add3A_267 = arith.constant 0 : i32
        %add3A_268 = arith.addi %add3A_267, %scan3A_160 : i32
        %swap3A_269 = arith.index_cast %add3A_268 : i32 to index
        %swap3A_270 = arith.index_cast %add3A_256 : i32 to index
        %swap3A_271 = tpu.vector_load %arg8[%swap3A_269, %swap3A_270] {strides = array<i32>} : memref<16x1024xf32, #tpu.memory_space<vmem>>, vector<1x16xf32>,
        %swap3A_272 = vector.shape_cast %swap3A_271 : vector<1x16xf32> to vector<16xf32>
        %swap3A_273 = vector.shape_cast %add3A_266 : vector<16xf32> to vector<1x16xf32>
        tpu.vector_store %arg8[%swap3A_269, %swap3A_270], %swap3A_273 {strides = array<i32>} : memref<16x1024xf32, #tpu.memory_space<vmem>>, vector<1x16xf32>,
        %add3A_274 = arith.constant 96 : i32
        %add3A_275 = arith.addi %mul3A_98, %add3A_274 : i32
        %add3A_276 = arith.constant 0 : i32
        %add3A_277 = arith.addi %add3A_276, %scan3A_160 : i32
        %get3A_278 = arith.index_cast %add3A_277 : i32 to index
        %get3A_279 = arith.index_cast %add3A_275 : i32 to index
        %get3A_280 = tpu.vector_load %arg8[%get3A_278, %get3A_279] {strides = array<i32>} : memref<16x1024xf32, #tpu.memory_space<vmem>>, vector<1x16xf32>,
        %get3A_281 = vector.shape_cast %get3A_280 : vector<1x16xf32> to vector<16xf32>
        %mul3A_282 = arith.constant 3.200000e+01 : f32
        %mul3A_283 = vector.broadcast %mul3A_282 : f32 to vector<16xf32>
        %mul3A_284 = arith.mulf %get3A_281, %mul3A_283 : vector<16xf32>
        %add3A_285 = arith.addf %mul3A_284, %get3A_146 : vector<16xf32>
        %add3A_286 = arith.constant 0 : i32
        %add3A_287 = arith.addi %add3A_286, %scan3A_160 : i32
        %swap3A_288 = arith.index_cast %add3A_287 : i32 to index
        %swap3A_289 = arith.index_cast %add3A_275 : i32 to index
        %swap3A_290 = tpu.vector_load %arg8[%swap3A_288, %swap3A_289] {strides = array<i32>} : memref<16x1024xf32, #tpu.memory_space<vmem>>, vector<1x16xf32>,
        %swap3A_291 = vector.shape_cast %swap3A_290 : vector<1x16xf32> to vector<16xf32>
        %swap3A_292 = vector.shape_cast %add3A_285 : vector<16xf32> to vector<1x16xf32>
        tpu.vector_store %arg8[%swap3A_288, %swap3A_289], %swap3A_292 {strides = array<i32>} : memref<16x1024xf32, #tpu.memory_space<vmem>>, vector<1x16xf32>,
        %add3A_293 = arith.constant 112 : i32
        %add3A_294 = arith.addi %mul3A_98, %add3A_293 : i32
        %add3A_295 = arith.constant 0 : i32
        %add3A_296 = arith.addi %add3A_295, %scan3A_160 : i32
        %get3A_297 = arith.index_cast %add3A_296 : i32 to index
        %get3A_298 = arith.index_cast %add3A_294 : i32 to index
        %get3A_299 = tpu.vector_load %arg8[%get3A_297, %get3A_298] {strides = array<i32>} : memref<16x1024xf32, #tpu.memory_space<vmem>>, vector<1x16xf32>,
        %get3A_300 = vector.shape_cast %get3A_299 : vector<1x16xf32> to vector<16xf32>
        %mul3A_301 = arith.constant 3.200000e+01 : f32
        %mul3A_302 = vector.broadcast %mul3A_301 : f32 to vector<16xf32>
        %mul3A_303 = arith.mulf %get3A_300, %mul3A_302 : vector<16xf32>
        %add3A_304 = arith.addf %mul3A_303, %get3A_153 : vector<16xf32>
        %add3A_305 = arith.constant 0 : i32
        %add3A_306 = arith.addi %add3A_305, %scan3A_160 : i32
        %swap3A_307 = arith.index_cast %add3A_306 : i32 to index
        %swap3A_308 = arith.index_cast %add3A_294 : i32 to index
        %swap3A_309 = tpu.vector_load %arg8[%swap3A_307, %swap3A_308] {strides = array<i32>} : memref<16x1024xf32, #tpu.memory_space<vmem>>, vector<1x16xf32>,
        %swap3A_310 = vector.shape_cast %swap3A_309 : vector<1x16xf32> to vector<16xf32>
        %swap3A_311 = vector.shape_cast %add3A_304 : vector<16xf32> to vector<1x16xf32>
        tpu.vector_store %arg8[%swap3A_307, %swap3A_308], %swap3A_311 {strides = array<i32>} : memref<16x1024xf32, #tpu.memory_space<vmem>>, vector<1x16xf32>,
      }
      %scan3A_159 = arith.constant 16 : i32
    }
    %scan3A_48 = arith.constant 8 : i32
    %dma_start3A_49 = arith.constant 0 : i32
    %dma_start3A_50 = arith.constant 0 : i32
    %dma_start3A_51 = tpu.memref_slice %arg5[%mul3A_2, %dma_start3A_49, %dma_start3A_50] : memref<4096x1x1024xf32, #tpu.memory_space<hbm>> -> memref<16x1x1024xf32, #tpu.memory_space<hbm>>
    %dma_start3A_52 = tpu.memref_squeeze %dma_start3A_51 : memref<16x1x1024xf32, #tpu.memory_space<hbm>> -> memref<16x1024xf32, #tpu.memory_space<hbm>>
    %dma_start3A_53 = arith.constant 0 : i32
    %dma_start3A_54 = tpu.memref_slice %arg5[%mul3A_2, %dma_start3A_49, %dma_start3A_53] : memref<4096x1x1024xf32, #tpu.memory_space<hbm>> -> memref<16x1x1024xf32, #tpu.memory_space<hbm>>
    %dma_start3A_55 = tpu.memref_squeeze %dma_start3A_54 : memref<16x1x1024xf32, #tpu.memory_space<hbm>> -> memref<16x1024xf32, #tpu.memory_space<hbm>>
    tpu.enqueue_dma source(%arg8 : memref<16x1024xf32, #tpu.memory_space<vmem>>) target(%dma_start3A_55 : memref<16x1024xf32, #tpu.memory_space<hbm>>) target_semaphore(%arg11 : memref<!tpu.dma_semaphore, #tpu.memory_space<semaphore_mem>>)
    %scan3A_56 = arith.constant 0 : i32
    %scan3A_57 = arith.constant 0 : i32
    %scan3A_58 = arith.constant 3 : i32
    %scan3A_59 = arith.addi %scan3A_57, %scan3A_58 : i32
    %scan3A_60 = arith.constant 1 : i32
    scf.for %scan3A_96 = %scan3A_57 to %scan3A_59 step %scan3A_60  : i32 {
      %mul3A_97 = arith.constant 32 : i32
      %mul3A_98 = arith.muli %scan3A_96, %mul3A_97 : i32
      %dma_wait3A_99 = arith.constant 0 : i32
      %dma_wait3A_100 = tpu.memref_slice %arg9[%mul3A_98, %dma_wait3A_99] : memref<96x1024xf32, #tpu.memory_space<vmem>> -> memref<32x1024xf32, #tpu.memory_space<vmem>>
      %dma_wait3A_101 = arith.constant 0 : i32
      %dma_wait3A_102 = tpu.memref_slice %arg6[%dma_wait3A_101] : memref<128xi32, #tpu.memory_space<vmem>> -> memref<32xi32, #tpu.memory_space<vmem>>
      %dma_wait3A_103 = arith.constant 0 : i32
      %dma_wait3A_104 = arith.constant 0 : i32
      %dma_wait3A_105 = tpu.memref_slice %arg3[%dma_wait3A_103, %dma_wait3A_104] : memref<100000x1024xf32, #tpu.memory_space<hbm>> -> memref<100000x1024xf32, #tpu.memory_space<hbm>>
      %dma_wait3A_106 = tpu.memref_slice %arg12[%scan3A_96] : memref<3x!tpu.dma_semaphore, #tpu.memory_space<semaphore_mem>> -> memref<1x!tpu.dma_semaphore, #tpu.memory_space<semaphore_mem>>
      %dma_wait3A_107 = tpu.memref_squeeze %dma_wait3A_106 : memref<1x!tpu.dma_semaphore, #tpu.memory_space<semaphore_mem>> -> memref<!tpu.dma_semaphore, #tpu.memory_space<semaphore_mem>>
      tpu.wait_indirect_dma semaphore(%dma_wait3A_107 : memref<!tpu.dma_semaphore, #tpu.memory_space<semaphore_mem>>) src(%dma_wait3A_105 : memref<100000x1024xf32, #tpu.memory_space<hbm>>) dst(%dma_wait3A_100 : memref<32x1024xf32, #tpu.memory_space<vmem>>)
      %scan3A_108 = arith.constant 0 : i32
      %scan3A_109 = arith.constant 0 : i32
      %scan3A_110 = arith.constant 8 : i32
      %scan3A_111 = arith.addi %scan3A_109, %scan3A_110 : i32
      %scan3A_112 = arith.constant 1 : i32
      scf.for %scan3A_132 = %scan3A_109 to %scan3A_111 step %scan3A_112  : i32 {
        %mul3A_133 = arith.constant 128 : i32
        %mul3A_134 = arith.muli %scan3A_132, %mul3A_133 : i32
        %add3A_135 = arith.constant 0 : i32
        %add3A_136 = arith.addi %mul3A_134, %add3A_135 : i32
        %get3A = arith.constant 0 : i32
        %get3A_137 = arith.index_cast %get3A : i32 to index
        %get3A_138 = arith.index_cast %add3A_136 : i32 to index
        %get3A_139 = tpu.vector_load %arg7[%get3A_137, %get3A_138] {strides = array<i32>} : memref<1x1024xf32, #tpu.memory_space<vmem>>, vector<1x16xf32>,
        %get3A_140 = vector.shape_cast %get3A_139 : vector<1x16xf32> to vector<16xf32>
        %add3A_141 = arith.constant 16 : i32
        %add3A_142 = arith.addi %mul3A_134, %add3A_141 : i32
        %get3A_143 = arith.constant 0 : i32
        %get3A_144 = arith.index_cast %get3A_143 : i32 to index
        %get3A_145 = arith.index_cast %add3A_142 : i32 to index
        %get3A_146 = tpu.vector_load %arg7[%get3A_144, %get3A_145] {strides = array<i32>} : memref<1x1024xf32, #tpu.memory_space<vmem>>, vector<1x16xf32>,
        %get3A_147 = vector.shape_cast %get3A_146 : vector<1x16xf32> to vector<16xf32>
        %add3A_148 = arith.constant 32 : i32
        %add3A_149 = arith.addi %mul3A_134, %add3A_148 : i32
        %get3A_150 = arith.constant 0 : i32
        %get3A_151 = arith.index_cast %get3A_150 : i32 to index
        %get3A_152 = arith.index_cast %add3A_149 : i32 to index
        %get3A_153 = tpu.vector_load %arg7[%get3A_151, %get3A_152] {strides = array<i32>} : memref<1x1024xf32, #tpu.memory_space<vmem>>, vector<1x16xf32>,
        %get3A_154 = vector.shape_cast %get3A_153 : vector<1x16xf32> to vector<16xf32>
        %add3A_155 = arith.constant 48 : i32
        %add3A_156 = arith.addi %mul3A_134, %add3A_155 : i32
        %get3A_157 = arith.constant 0 : i32
        %get3A_158 = arith.index_cast %get3A_157 : i32 to index
        %get3A_159 = arith.index_cast %add3A_156 : i32 to index
        %get3A_160 = tpu.vector_load %arg7[%get3A_158, %get3A_159] {strides = array<i32>} : memref<1x1024xf32, #tpu.memory_space<vmem>>, vector<1x16xf32>,
        %get3A_161 = vector.shape_cast %get3A_160 : vector<1x16xf32> to vector<16xf32>
        %add3A_162 = arith.constant 64 : i32
        %add3A_163 = arith.addi %mul3A_134, %add3A_162 : i32
        %get3A_164 = arith.constant 0 : i32
        %get3A_165 = arith.index_cast %get3A_164 : i32 to index
        %get3A_166 = arith.index_cast %add3A_163 : i32 to index
        %get3A_167 = tpu.vector_load %arg7[%get3A_165, %get3A_166] {strides = array<i32>} : memref<1x1024xf32, #tpu.memory_space<vmem>>, vector<1x16xf32>,
        %get3A_168 = vector.shape_cast %get3A_167 : vector<1x16xf32> to vector<16xf32>
        %add3A_169 = arith.constant 80 : i32
        %add3A_170 = arith.addi %mul3A_134, %add3A_169 : i32
        %get3A_171 = arith.constant 0 : i32
        %get3A_172 = arith.index_cast %get3A_171 : i32 to index
        %get3A_173 = arith.index_cast %add3A_170 : i32 to index
        %get3A_174 = tpu.vector_load %arg7[%get3A_172, %get3A_173] {strides = array<i32>} : memref<1x1024xf32, #tpu.memory_space<vmem>>, vector<1x16xf32>,
        %get3A_175 = vector.shape_cast %get3A_174 : vector<1x16xf32> to vector<16xf32>
        %add3A_176 = arith.constant 96 : i32
        %add3A_177 = arith.addi %mul3A_134, %add3A_176 : i32
        %get3A_178 = arith.constant 0 : i32
        %get3A_179 = arith.index_cast %get3A_178 : i32 to index
        %get3A_180 = arith.index_cast %add3A_177 : i32 to index
        %get3A_181 = tpu.vector_load %arg7[%get3A_179, %get3A_180] {strides = array<i32>} : memref<1x1024xf32, #tpu.memory_space<vmem>>, vector<1x16xf32>,
        %get3A_182 = vector.shape_cast %get3A_181 : vector<1x16xf32> to vector<16xf32>
        %add3A_183 = arith.constant 112 : i32
        %add3A_184 = arith.addi %mul3A_134, %add3A_183 : i32
        %get3A_185 = arith.constant 0 : i32
        %get3A_186 = arith.index_cast %get3A_185 : i32 to index
        %get3A_187 = arith.index_cast %add3A_184 : i32 to index
        %get3A_188 = tpu.vector_load %arg7[%get3A_186, %get3A_187] {strides = array<i32>} : memref<1x1024xf32, #tpu.memory_space<vmem>>, vector<1x16xf32>,
        %get3A_189 = vector.shape_cast %get3A_188 : vector<1x16xf32> to vector<16xf32>
        %scan3A_190 = arith.constant 0 : i32
        %scan3A_191 = arith.constant 0 : i32
        %scan3A_192 = arith.constant 32 : i32
        %scan3A_193 = arith.addi %scan3A_191, %scan3A_192 : i32
        %scan3A_194 = arith.constant 1 : i32
        scf.for %scan3A_196 = %scan3A_191 to %scan3A_193 step %scan3A_194  : i32 {
          %add3A_197 = arith.constant 0 : i32
          %add3A_198 = arith.addi %mul3A_134, %add3A_197 : i32
          %add3A_199 = arith.addi %mul3A_98, %scan3A_196 : i32
          %get3A_200 = arith.index_cast %add3A_199 : i32 to index
          %get3A_201 = arith.index_cast %add3A_198 : i32 to index
          %get3A_202 = tpu.vector_load %arg9[%get3A_200, %get3A_201] {strides = array<i32>} : memref<96x1024xf32, #tpu.memory_space<vmem>>, vector<1x16xf32>,
          %get3A_203 = vector.shape_cast %get3A_202 : vector<1x16xf32> to vector<16xf32>
          %mul3A_204 = arith.constant 3.200000e+01 : f32
          %mul3A_205 = vector.broadcast %mul3A_204 : f32 to vector<16xf32>
          %mul3A_206 = arith.mulf %get3A_203, %mul3A_205 : vector<16xf32>
          %add3A_207 = arith.addf %mul3A_206, %get3A_140 : vector<16xf32>
          %add3A_208 = arith.addi %mul3A_98, %scan3A_196 : i32
          %swap3A = arith.index_cast %add3A_208 : i32 to index
          %swap3A_209 = arith.index_cast %add3A_198 : i32 to index
          %swap3A_210 = tpu.vector_load %arg9[%swap3A, %swap3A_209] {strides = array<i32>} : memref<96x1024xf32, #tpu.memory_space<vmem>>, vector<1x16xf32>,
          %swap3A_211 = vector.shape_cast %swap3A_210 : vector<1x16xf32> to vector<16xf32>
          %swap3A_212 = vector.shape_cast %add3A_207 : vector<16xf32> to vector<1x16xf32>
          tpu.vector_store %arg9[%swap3A, %swap3A_209], %swap3A_212 {strides = array<i32>} : memref<96x1024xf32, #tpu.memory_space<vmem>>, vector<1x16xf32>,
          %add3A_213 = arith.constant 16 : i32
          %add3A_214 = arith.addi %mul3A_134, %add3A_213 : i32
          %add3A_215 = arith.addi %mul3A_98, %scan3A_196 : i32
          %get3A_216 = arith.index_cast %add3A_215 : i32 to index
          %get3A_217 = arith.index_cast %add3A_214 : i32 to index
          %get3A_218 = tpu.vector_load %arg9[%get3A_216, %get3A_217] {strides = array<i32>} : memref<96x1024xf32, #tpu.memory_space<vmem>>, vector<1x16xf32>,
          %get3A_219 = vector.shape_cast %get3A_218 : vector<1x16xf32> to vector<16xf32>
          %mul3A_220 = arith.constant 3.200000e+01 : f32
          %mul3A_221 = vector.broadcast %mul3A_220 : f32 to vector<16xf32>
          %mul3A_222 = arith.mulf %get3A_219, %mul3A_221 : vector<16xf32>
          %add3A_223 = arith.addf %mul3A_222, %get3A_147 : vector<16xf32>
          %add3A_224 = arith.addi %mul3A_98, %scan3A_196 : i32
          %swap3A_225 = arith.index_cast %add3A_224 : i32 to index
          %swap3A_226 = arith.index_cast %add3A_214 : i32 to index
          %swap3A_227 = tpu.vector_load %arg9[%swap3A_225, %swap3A_226] {strides = array<i32>} : memref<96x1024xf32, #tpu.memory_space<vmem>>, vector<1x16xf32>,
          %swap3A_228 = vector.shape_cast %swap3A_227 : vector<1x16xf32> to vector<16xf32>
          %swap3A_229 = vector.shape_cast %add3A_223 : vector<16xf32> to vector<1x16xf32>
          tpu.vector_store %arg9[%swap3A_225, %swap3A_226], %swap3A_229 {strides = array<i32>} : memref<96x1024xf32, #tpu.memory_space<vmem>>, vector<1x16xf32>,
          %add3A_230 = arith.constant 32 : i32
          %add3A_231 = arith.addi %mul3A_134, %add3A_230 : i32
          %add3A_232 = arith.addi %mul3A_98, %scan3A_196 : i32
          %get3A_233 = arith.index_cast %add3A_232 : i32 to index
          %get3A_234 = arith.index_cast %add3A_231 : i32 to index
          %get3A_235 = tpu.vector_load %arg9[%get3A_233, %get3A_234] {strides = array<i32>} : memref<96x1024xf32, #tpu.memory_space<vmem>>, vector<1x16xf32>,
          %get3A_236 = vector.shape_cast %get3A_235 : vector<1x16xf32> to vector<16xf32>
          %mul3A_237 = arith.constant 3.200000e+01 : f32
          %mul3A_238 = vector.broadcast %mul3A_237 : f32 to vector<16xf32>
          %mul3A_239 = arith.mulf %get3A_236, %mul3A_238 : vector<16xf32>
          %add3A_240 = arith.addf %mul3A_239, %get3A_154 : vector<16xf32>
          %add3A_241 = arith.addi %mul3A_98, %scan3A_196 : i32
          %swap3A_242 = arith.index_cast %add3A_241 : i32 to index
          %swap3A_243 = arith.index_cast %add3A_231 : i32 to index
          %swap3A_244 = tpu.vector_load %arg9[%swap3A_242, %swap3A_243] {strides = array<i32>} : memref<96x1024xf32, #tpu.memory_space<vmem>>, vector<1x16xf32>,
          %swap3A_245 = vector.shape_cast %swap3A_244 : vector<1x16xf32> to vector<16xf32>
          %swap3A_246 = vector.shape_cast %add3A_240 : vector<16xf32> to vector<1x16xf32>
          tpu.vector_store %arg9[%swap3A_242, %swap3A_243], %swap3A_246 {strides = array<i32>} : memref<96x1024xf32, #tpu.memory_space<vmem>>, vector<1x16xf32>,
          %add3A_247 = arith.constant 48 : i32
          %add3A_248 = arith.addi %mul3A_134, %add3A_247 : i32
          %add3A_249 = arith.addi %mul3A_98, %scan3A_196 : i32
          %get3A_250 = arith.index_cast %add3A_249 : i32 to index
          %get3A_251 = arith.index_cast %add3A_248 : i32 to index
          %get3A_252 = tpu.vector_load %arg9[%get3A_250, %get3A_251] {strides = array<i32>} : memref<96x1024xf32, #tpu.memory_space<vmem>>, vector<1x16xf32>,
          %get3A_253 = vector.shape_cast %get3A_252 : vector<1x16xf32> to vector<16xf32>
          %mul3A_254 = arith.constant 3.200000e+01 : f32
          %mul3A_255 = vector.broadcast %mul3A_254 : f32 to vector<16xf32>
          %mul3A_256 = arith.mulf %get3A_253, %mul3A_255 : vector<16xf32>
          %add3A_257 = arith.addf %mul3A_256, %get3A_161 : vector<16xf32>
          %add3A_258 = arith.addi %mul3A_98, %scan3A_196 : i32
          %swap3A_259 = arith.index_cast %add3A_258 : i32 to index
          %swap3A_260 = arith.index_cast %add3A_248 : i32 to index
          %swap3A_261 = tpu.vector_load %arg9[%swap3A_259, %swap3A_260] {strides = array<i32>} : memref<96x1024xf32, #tpu.memory_space<vmem>>, vector<1x16xf32>,
          %swap3A_262 = vector.shape_cast %swap3A_261 : vector<1x16xf32> to vector<16xf32>
          %swap3A_263 = vector.shape_cast %add3A_257 : vector<16xf32> to vector<1x16xf32>
          tpu.vector_store %arg9[%swap3A_259, %swap3A_260], %swap3A_263 {strides = array<i32>} : memref<96x1024xf32, #tpu.memory_space<vmem>>, vector<1x16xf32>,
          %add3A_264 = arith.constant 64 : i32
          %add3A_265 = arith.addi %mul3A_134, %add3A_264 : i32
          %add3A_266 = arith.addi %mul3A_98, %scan3A_196 : i32
          %get3A_267 = arith.index_cast %add3A_266 : i32 to index
          %get3A_268 = arith.index_cast %add3A_265 : i32 to index
          %get3A_269 = tpu.vector_load %arg9[%get3A_267, %get3A_268] {strides = array<i32>} : memref<96x1024xf32, #tpu.memory_space<vmem>>, vector<1x16xf32>,
          %get3A_270 = vector.shape_cast %get3A_269 : vector<1x16xf32> to vector<16xf32>
          %mul3A_271 = arith.constant 3.200000e+01 : f32
          %mul3A_272 = vector.broadcast %mul3A_271 : f32 to vector<16xf32>
          %mul3A_273 = arith.mulf %get3A_270, %mul3A_272 : vector<16xf32>
          %add3A_274 = arith.addf %mul3A_273, %get3A_168 : vector<16xf32>
          %add3A_275 = arith.addi %mul3A_98, %scan3A_196 : i32
          %swap3A_276 = arith.index_cast %add3A_275 : i32 to index
          %swap3A_277 = arith.index_cast %add3A_265 : i32 to index
          %swap3A_278 = tpu.vector_load %arg9[%swap3A_276, %swap3A_277] {strides = array<i32>} : memref<96x1024xf32, #tpu.memory_space<vmem>>, vector<1x16xf32>,
          %swap3A_279 = vector.shape_cast %swap3A_278 : vector<1x16xf32> to vector<16xf32>
          %swap3A_280 = vector.shape_cast %add3A_274 : vector<16xf32> to vector<1x16xf32>
          tpu.vector_store %arg9[%swap3A_276, %swap3A_277], %swap3A_280 {strides = array<i32>} : memref<96x1024xf32, #tpu.memory_space<vmem>>, vector<1x16xf32>,
          %add3A_281 = arith.constant 80 : i32
          %add3A_282 = arith.addi %mul3A_134, %add3A_281 : i32
          %add3A_283 = arith.addi %mul3A_98, %scan3A_196 : i32
          %get3A_284 = arith.index_cast %add3A_283 : i32 to index
          %get3A_285 = arith.index_cast %add3A_282 : i32 to index
          %get3A_286 = tpu.vector_load %arg9[%get3A_284, %get3A_285] {strides = array<i32>} : memref<96x1024xf32, #tpu.memory_space<vmem>>, vector<1x16xf32>,
          %get3A_287 = vector.shape_cast %get3A_286 : vector<1x16xf32> to vector<16xf32>
          %mul3A_288 = arith.constant 3.200000e+01 : f32
          %mul3A_289 = vector.broadcast %mul3A_288 : f32 to vector<16xf32>
          %mul3A_290 = arith.mulf %get3A_287, %mul3A_289 : vector<16xf32>
          %add3A_291 = arith.addf %mul3A_290, %get3A_175 : vector<16xf32>
          %add3A_292 = arith.addi %mul3A_98, %scan3A_196 : i32
          %swap3A_293 = arith.index_cast %add3A_292 : i32 to index
          %swap3A_294 = arith.index_cast %add3A_282 : i32 to index
          %swap3A_295 = tpu.vector_load %arg9[%swap3A_293, %swap3A_294] {strides = array<i32>} : memref<96x1024xf32, #tpu.memory_space<vmem>>, vector<1x16xf32>,
          %swap3A_296 = vector.shape_cast %swap3A_295 : vector<1x16xf32> to vector<16xf32>
          %swap3A_297 = vector.shape_cast %add3A_291 : vector<16xf32> to vector<1x16xf32>
          tpu.vector_store %arg9[%swap3A_293, %swap3A_294], %swap3A_297 {strides = array<i32>} : memref<96x1024xf32, #tpu.memory_space<vmem>>, vector<1x16xf32>,
          %add3A_298 = arith.constant 96 : i32
          %add3A_299 = arith.addi %mul3A_134, %add3A_298 : i32
          %add3A_300 = arith.addi %mul3A_98, %scan3A_196 : i32
          %get3A_301 = arith.index_cast %add3A_300 : i32 to index
          %get3A_302 = arith.index_cast %add3A_299 : i32 to index
          %get3A_303 = tpu.vector_load %arg9[%get3A_301, %get3A_302] {strides = array<i32>} : memref<96x1024xf32, #tpu.memory_space<vmem>>, vector<1x16xf32>,
          %get3A_304 = vector.shape_cast %get3A_303 : vector<1x16xf32> to vector<16xf32>
          %mul3A_305 = arith.constant 3.200000e+01 : f32
          %mul3A_306 = vector.broadcast %mul3A_305 : f32 to vector<16xf32>
          %mul3A_307 = arith.mulf %get3A_304, %mul3A_306 : vector<16xf32>
          %add3A_308 = arith.addf %mul3A_307, %get3A_182 : vector<16xf32>
          %add3A_309 = arith.addi %mul3A_98, %scan3A_196 : i32
          %swap3A_310 = arith.index_cast %add3A_309 : i32 to index
          %swap3A_311 = arith.index_cast %add3A_299 : i32 to index
          %swap3A_312 = tpu.vector_load %arg9[%swap3A_310, %swap3A_311] {strides = array<i32>} : memref<96x1024xf32, #tpu.memory_space<vmem>>, vector<1x16xf32>,
          %swap3A_313 = vector.shape_cast %swap3A_312 : vector<1x16xf32> to vector<16xf32>
          %swap3A_314 = vector.shape_cast %add3A_308 : vector<16xf32> to vector<1x16xf32>
          tpu.vector_store %arg9[%swap3A_310, %swap3A_311], %swap3A_314 {strides = array<i32>} : memref<96x1024xf32, #tpu.memory_space<vmem>>, vector<1x16xf32>,
          %add3A_315 = arith.constant 112 : i32
          %add3A_316 = arith.addi %mul3A_134, %add3A_315 : i32
          %add3A_317 = arith.addi %mul3A_98, %scan3A_196 : i32
          %get3A_318 = arith.index_cast %add3A_317 : i32 to index
          %get3A_319 = arith.index_cast %add3A_316 : i32 to index
          %get3A_320 = tpu.vector_load %arg9[%get3A_318, %get3A_319] {strides = array<i32>} : memref<96x1024xf32, #tpu.memory_space<vmem>>, vector<1x16xf32>,
          %get3A_321 = vector.shape_cast %get3A_320 : vector<1x16xf32> to vector<16xf32>
          %mul3A_322 = arith.constant 3.200000e+01 : f32
          %mul3A_323 = vector.broadcast %mul3A_322 : f32 to vector<16xf32>
          %mul3A_324 = arith.mulf %get3A_321, %mul3A_323 : vector<16xf32>
          %add3A_325 = arith.addf %mul3A_324, %get3A_189 : vector<16xf32>
          %add3A_326 = arith.addi %mul3A_98, %scan3A_196 : i32
          %swap3A_327 = arith.index_cast %add3A_326 : i32 to index
          %swap3A_328 = arith.index_cast %add3A_316 : i32 to index
          %swap3A_329 = tpu.vector_load %arg9[%swap3A_327, %swap3A_328] {strides = array<i32>} : memref<96x1024xf32, #tpu.memory_space<vmem>>, vector<1x16xf32>,
          %swap3A_330 = vector.shape_cast %swap3A_329 : vector<1x16xf32> to vector<16xf32>
          %swap3A_331 = vector.shape_cast %add3A_325 : vector<16xf32> to vector<1x16xf32>
          tpu.vector_store %arg9[%swap3A_327, %swap3A_328], %swap3A_331 {strides = array<i32>} : memref<96x1024xf32, #tpu.memory_space<vmem>>, vector<1x16xf32>,
        }
        %scan3A_195 = arith.constant 32 : i32
      }
      %scan3A_113 = arith.constant 8 : i32
      %add3A_114 = arith.constant 16 : i32
      %add3A_115 = arith.addi %mul3A_2, %add3A_114 : i32
      %add3A_116 = arith.addi %add3A_115, %mul3A_98 : i32
      %dma_start3A_117 = arith.constant 0 : i32
      %dma_start3A_118 = arith.constant 0 : i32
      %dma_start3A_119 = tpu.memref_slice %arg9[%mul3A_98, %dma_start3A_118] : memref<96x1024xf32, #tpu.memory_space<vmem>> -> memref<32x1024xf32, #tpu.memory_space<vmem>>
      %dma_start3A_120 = arith.constant 0 : i32
      %dma_start3A_121 = tpu.memref_slice %arg5[%add3A_116, %dma_start3A_117, %dma_start3A_120] : memref<4096x1x1024xf32, #tpu.memory_space<hbm>> -> memref<32x1x1024xf32, #tpu.memory_space<hbm>>
      %dma_start3A_122 = tpu.memref_squeeze %dma_start3A_121 : memref<32x1x1024xf32, #tpu.memory_space<hbm>> -> memref<32x1024xf32, #tpu.memory_space<hbm>>
      %dma_start3A_123 = tpu.memref_slice %arg13[%scan3A_96] : memref<3x!tpu.dma_semaphore, #tpu.memory_space<semaphore_mem>> -> memref<1x!tpu.dma_semaphore, #tpu.memory_space<semaphore_mem>>
      %dma_start3A_124 = tpu.memref_squeeze %dma_start3A_123 : memref<1x!tpu.dma_semaphore, #tpu.memory_space<semaphore_mem>> -> memref<!tpu.dma_semaphore, #tpu.memory_space<semaphore_mem>>
      %dma_start3A_125 = arith.constant 0 : i32
      %dma_start3A_126 = tpu.memref_slice %arg5[%add3A_116, %dma_start3A_117, %dma_start3A_125] : memref<4096x1x1024xf32, #tpu.memory_space<hbm>> -> memref<32x1x1024xf32, #tpu.memory_space<hbm>>
      %dma_start3A_127 = tpu.memref_squeeze %dma_start3A_126 : memref<32x1x1024xf32, #tpu.memory_space<hbm>> -> memref<32x1024xf32, #tpu.memory_space<hbm>>
      %dma_start3A_128 = arith.constant 0 : i32
      %dma_start3A_129 = tpu.memref_slice %arg9[%mul3A_98, %dma_start3A_128] : memref<96x1024xf32, #tpu.memory_space<vmem>> -> memref<32x1024xf32, #tpu.memory_space<vmem>>
      tpu.enqueue_dma source(%dma_start3A_129 : memref<32x1024xf32, #tpu.memory_space<vmem>>) target(%dma_start3A_127 : memref<32x1024xf32, #tpu.memory_space<hbm>>) target_semaphore(%dma_start3A_124 : memref<!tpu.dma_semaphore, #tpu.memory_space<semaphore_mem>>)
      %eq3A = arith.constant 0 : i32
      %eq3A_130 = arith.cmpi eq, %scan3A_96, %eq3A : i32
      %convert_element_type3A = arith.extui %eq3A_130 : i1 to i32
      %cond3A = arith.constant 0 : i32
      %cond3A_131 = arith.cmpi ne, %convert_element_type3A, %cond3A : i32
      scf.if %cond3A_131 {
        %dma_wait3A_132 = arith.constant 0 : i32
        %dma_wait3A_133 = arith.constant 0 : i32
        %dma_wait3A_134 = tpu.memref_slice %arg5[%mul3A_2, %dma_wait3A_132, %dma_wait3A_133] : memref<4096x1x1024xf32, #tpu.memory_space<hbm>> -> memref<16x1x1024xf32, #tpu.memory_space<hbm>>
        %dma_wait3A_135 = tpu.memref_squeeze %dma_wait3A_134 : memref<16x1x1024xf32, #tpu.memory_space<hbm>> -> memref<16x1024xf32, #tpu.memory_space<hbm>>
        %dma_wait3A_136 = arith.constant 0 : i32
        %dma_wait3A_137 = tpu.memref_slice %arg5[%mul3A_2, %dma_wait3A_132, %dma_wait3A_136] : memref<4096x1x1024xf32, #tpu.memory_space<hbm>> -> memref<16x1x1024xf32, #tpu.memory_space<hbm>>
        %dma_wait3A_138 = tpu.memref_squeeze %dma_wait3A_137 : memref<16x1x1024xf32, #tpu.memory_space<hbm>> -> memref<16x1024xf32, #tpu.memory_space<hbm>>
        tpu.wait_dma2 semaphore(%arg11 : memref<!tpu.dma_semaphore, #tpu.memory_space<semaphore_mem>>) src(%arg8 : memref<16x1024xf32, #tpu.memory_space<vmem>>) dst(%dma_wait3A_138 : memref<16x1024xf32, #tpu.memory_space<hbm>>)
        %dma_start3A_139 = arith.constant 112 : i32
        %dma_start3A_140 = tpu.memref_slice %arg6[%dma_start3A_139] : memref<128xi32, #tpu.memory_space<vmem>> -> memref<16xi32, #tpu.memory_space<vmem>>
        %dma_start3A_141 = arith.constant 0 : i32
        %dma_start3A_142 = arith.constant 0 : i32
        %dma_start3A_143 = tpu.memref_slice %arg3[%dma_start3A_141, %dma_start3A_142] : memref<100000x1024xf32, #tpu.memory_space<hbm>> -> memref<100000x1024xf32, #tpu.memory_space<hbm>>
        tpu.enqueue_indirect_dma source(%dma_start3A_143 : memref<100000x1024xf32, #tpu.memory_space<hbm>>) target(%arg8 : memref<16x1024xf32, #tpu.memory_space<vmem>>) offsets(%dma_start3A_140 : memref<16xi32, #tpu.memory_space<vmem>>) semaphore(%arg10 : memref<!tpu.dma_semaphore, #tpu.memory_space<semaphore_mem>>)
      } else {
      }
    }
    %scan3A_61 = arith.constant 3 : i32
    %dma_wait3A_62 = arith.constant 112 : i32
    %dma_wait3A_63 = tpu.memref_slice %arg6[%dma_wait3A_62] : memref<128xi32, #tpu.memory_space<vmem>> -> memref<16xi32, #tpu.memory_space<vmem>>
    %dma_wait3A_64 = arith.constant 0 : i32
    %dma_wait3A_65 = arith.constant 0 : i32
    %dma_wait3A_66 = tpu.memref_slice %arg3[%dma_wait3A_64, %dma_wait3A_65] : memref<100000x1024xf32, #tpu.memory_space<hbm>> -> memref<100000x1024xf32, #tpu.memory_space<hbm>>
    tpu.wait_indirect_dma semaphore(%arg10 : memref<!tpu.dma_semaphore, #tpu.memory_space<semaphore_mem>>) src(%dma_wait3A_66 : memref<100000x1024xf32, #tpu.memory_space<hbm>>) dst(%arg8 : memref<16x1024xf32, #tpu.memory_space<vmem>>)
    %scan3A_67 = arith.constant 0 : i32
    %scan3A_68 = arith.constant 0 : i32
    %scan3A_69 = arith.constant 8 : i32
    %scan3A_70 = arith.addi %scan3A_68, %scan3A_69 : i32
    %scan3A_71 = arith.constant 1 : i32
    scf.for %scan3A_96 = %scan3A_68 to %scan3A_70 step %scan3A_71  : i32 {
      %mul3A_97 = arith.constant 128 : i32
      %mul3A_98 = arith.muli %scan3A_96, %mul3A_97 : i32
      %add3A_99 = arith.constant 0 : i32
      %add3A_100 = arith.addi %mul3A_98, %add3A_99 : i32
      %get3A = arith.constant 0 : i32
      %get3A_101 = arith.index_cast %get3A : i32 to index
      %get3A_102 = arith.index_cast %add3A_100 : i32 to index
      %get3A_103 = tpu.vector_load %arg7[%get3A_101, %get3A_102] {strides = array<i32>} : memref<1x1024xf32, #tpu.memory_space<vmem>>, vector<1x16xf32>,
      %get3A_104 = vector.shape_cast %get3A_103 : vector<1x16xf32> to vector<16xf32>
      %add3A_105 = arith.constant 16 : i32
      %add3A_106 = arith.addi %mul3A_98, %add3A_105 : i32
      %get3A_107 = arith.constant 0 : i32
      %get3A_108 = arith.index_cast %get3A_107 : i32 to index
      %get3A_109 = arith.index_cast %add3A_106 : i32 to index
      %get3A_110 = tpu.vector_load %arg7[%get3A_108, %get3A_109] {strides = array<i32>} : memref<1x1024xf32, #tpu.memory_space<vmem>>, vector<1x16xf32>,
      %get3A_111 = vector.shape_cast %get3A_110 : vector<1x16xf32> to vector<16xf32>
      %add3A_112 = arith.constant 32 : i32
      %add3A_113 = arith.addi %mul3A_98, %add3A_112 : i32
      %get3A_114 = arith.constant 0 : i32
      %get3A_115 = arith.index_cast %get3A_114 : i32 to index
      %get3A_116 = arith.index_cast %add3A_113 : i32 to index
      %get3A_117 = tpu.vector_load %arg7[%get3A_115, %get3A_116] {strides = array<i32>} : memref<1x1024xf32, #tpu.memory_space<vmem>>, vector<1x16xf32>,
      %get3A_118 = vector.shape_cast %get3A_117 : vector<1x16xf32> to vector<16xf32>
      %add3A_119 = arith.constant 48 : i32
      %add3A_120 = arith.addi %mul3A_98, %add3A_119 : i32
      %get3A_121 = arith.constant 0 : i32
      %get3A_122 = arith.index_cast %get3A_121 : i32 to index
      %get3A_123 = arith.index_cast %add3A_120 : i32 to index
      %get3A_124 = tpu.vector_load %arg7[%get3A_122, %get3A_123] {strides = array<i32>} : memref<1x1024xf32, #tpu.memory_space<vmem>>, vector<1x16xf32>,
      %get3A_125 = vector.shape_cast %get3A_124 : vector<1x16xf32> to vector<16xf32>
      %add3A_126 = arith.constant 64 : i32
      %add3A_127 = arith.addi %mul3A_98, %add3A_126 : i32
      %get3A_128 = arith.constant 0 : i32
      %get3A_129 = arith.index_cast %get3A_128 : i32 to index
      %get3A_130 = arith.index_cast %add3A_127 : i32 to index
      %get3A_131 = tpu.vector_load %arg7[%get3A_129, %get3A_130] {strides = array<i32>} : memref<1x1024xf32, #tpu.memory_space<vmem>>, vector<1x16xf32>,
      %get3A_132 = vector.shape_cast %get3A_131 : vector<1x16xf32> to vector<16xf32>
      %add3A_133 = arith.constant 80 : i32
      %add3A_134 = arith.addi %mul3A_98, %add3A_133 : i32
      %get3A_135 = arith.constant 0 : i32
      %get3A_136 = arith.index_cast %get3A_135 : i32 to index
      %get3A_137 = arith.index_cast %add3A_134 : i32 to index
      %get3A_138 = tpu.vector_load %arg7[%get3A_136, %get3A_137] {strides = array<i32>} : memref<1x1024xf32, #tpu.memory_space<vmem>>, vector<1x16xf32>,
      %get3A_139 = vector.shape_cast %get3A_138 : vector<1x16xf32> to vector<16xf32>
      %add3A_140 = arith.constant 96 : i32
      %add3A_141 = arith.addi %mul3A_98, %add3A_140 : i32
      %get3A_142 = arith.constant 0 : i32
      %get3A_143 = arith.index_cast %get3A_142 : i32 to index
      %get3A_144 = arith.index_cast %add3A_141 : i32 to index
      %get3A_145 = tpu.vector_load %arg7[%get3A_143, %get3A_144] {strides = array<i32>} : memref<1x1024xf32, #tpu.memory_space<vmem>>, vector<1x16xf32>,
      %get3A_146 = vector.shape_cast %get3A_145 : vector<1x16xf32> to vector<16xf32>
      %add3A_147 = arith.constant 112 : i32
      %add3A_148 = arith.addi %mul3A_98, %add3A_147 : i32
      %get3A_149 = arith.constant 0 : i32
      %get3A_150 = arith.index_cast %get3A_149 : i32 to index
      %get3A_151 = arith.index_cast %add3A_148 : i32 to index
      %get3A_152 = tpu.vector_load %arg7[%get3A_150, %get3A_151] {strides = array<i32>} : memref<1x1024xf32, #tpu.memory_space<vmem>>, vector<1x16xf32>,
      %get3A_153 = vector.shape_cast %get3A_152 : vector<1x16xf32> to vector<16xf32>
      %scan3A_154 = arith.constant 0 : i32
      %scan3A_155 = arith.constant 0 : i32
      %scan3A_156 = arith.constant 16 : i32
      %scan3A_157 = arith.addi %scan3A_155, %scan3A_156 : i32
      %scan3A_158 = arith.constant 1 : i32
      scf.for %scan3A_160 = %scan3A_155 to %scan3A_157 step %scan3A_158  : i32 {
        %add3A_161 = arith.constant 0 : i32
        %add3A_162 = arith.addi %mul3A_98, %add3A_161 : i32
        %add3A_163 = arith.constant 0 : i32
        %add3A_164 = arith.addi %add3A_163, %scan3A_160 : i32
        %get3A_165 = arith.index_cast %add3A_164 : i32 to index
        %get3A_166 = arith.index_cast %add3A_162 : i32 to index
        %get3A_167 = tpu.vector_load %arg8[%get3A_165, %get3A_166] {strides = array<i32>} : memref<16x1024xf32, #tpu.memory_space<vmem>>, vector<1x16xf32>,
        %get3A_168 = vector.shape_cast %get3A_167 : vector<1x16xf32> to vector<16xf32>
        %mul3A_169 = arith.constant 3.200000e+01 : f32
        %mul3A_170 = vector.broadcast %mul3A_169 : f32 to vector<16xf32>
        %mul3A_171 = arith.mulf %get3A_168, %mul3A_170 : vector<16xf32>
        %add3A_172 = arith.addf %mul3A_171, %get3A_104 : vector<16xf32>
        %add3A_173 = arith.constant 0 : i32
        %add3A_174 = arith.addi %add3A_173, %scan3A_160 : i32
        %swap3A = arith.index_cast %add3A_174 : i32 to index
        %swap3A_175 = arith.index_cast %add3A_162 : i32 to index
        %swap3A_176 = tpu.vector_load %arg8[%swap3A, %swap3A_175] {strides = array<i32>} : memref<16x1024xf32, #tpu.memory_space<vmem>>, vector<1x16xf32>,
        %swap3A_177 = vector.shape_cast %swap3A_176 : vector<1x16xf32> to vector<16xf32>
        %swap3A_178 = vector.shape_cast %add3A_172 : vector<16xf32> to vector<1x16xf32>
        tpu.vector_store %arg8[%swap3A, %swap3A_175], %swap3A_178 {strides = array<i32>} : memref<16x1024xf32, #tpu.memory_space<vmem>>, vector<1x16xf32>,
        %add3A_179 = arith.constant 16 : i32
        %add3A_180 = arith.addi %mul3A_98, %add3A_179 : i32
        %add3A_181 = arith.constant 0 : i32
        %add3A_182 = arith.addi %add3A_181, %scan3A_160 : i32
        %get3A_183 = arith.index_cast %add3A_182 : i32 to index
        %get3A_184 = arith.index_cast %add3A_180 : i32 to index
        %get3A_185 = tpu.vector_load %arg8[%get3A_183, %get3A_184] {strides = array<i32>} : memref<16x1024xf32, #tpu.memory_space<vmem>>, vector<1x16xf32>,
        %get3A_186 = vector.shape_cast %get3A_185 : vector<1x16xf32> to vector<16xf32>
        %mul3A_187 = arith.constant 3.200000e+01 : f32
        %mul3A_188 = vector.broadcast %mul3A_187 : f32 to vector<16xf32>
        %mul3A_189 = arith.mulf %get3A_186, %mul3A_188 : vector<16xf32>
        %add3A_190 = arith.addf %mul3A_189, %get3A_111 : vector<16xf32>
        %add3A_191 = arith.constant 0 : i32
        %add3A_192 = arith.addi %add3A_191, %scan3A_160 : i32
        %swap3A_193 = arith.index_cast %add3A_192 : i32 to index
        %swap3A_194 = arith.index_cast %add3A_180 : i32 to index
        %swap3A_195 = tpu.vector_load %arg8[%swap3A_193, %swap3A_194] {strides = array<i32>} : memref<16x1024xf32, #tpu.memory_space<vmem>>, vector<1x16xf32>,
        %swap3A_196 = vector.shape_cast %swap3A_195 : vector<1x16xf32> to vector<16xf32>
        %swap3A_197 = vector.shape_cast %add3A_190 : vector<16xf32> to vector<1x16xf32>
        tpu.vector_store %arg8[%swap3A_193, %swap3A_194], %swap3A_197 {strides = array<i32>} : memref<16x1024xf32, #tpu.memory_space<vmem>>, vector<1x16xf32>,
        %add3A_198 = arith.constant 32 : i32
        %add3A_199 = arith.addi %mul3A_98, %add3A_198 : i32
        %add3A_200 = arith.constant 0 : i32
        %add3A_201 = arith.addi %add3A_200, %scan3A_160 : i32
        %get3A_202 = arith.index_cast %add3A_201 : i32 to index
        %get3A_203 = arith.index_cast %add3A_199 : i32 to index
        %get3A_204 = tpu.vector_load %arg8[%get3A_202, %get3A_203] {strides = array<i32>} : memref<16x1024xf32, #tpu.memory_space<vmem>>, vector<1x16xf32>,
        %get3A_205 = vector.shape_cast %get3A_204 : vector<1x16xf32> to vector<16xf32>
        %mul3A_206 = arith.constant 3.200000e+01 : f32
        %mul3A_207 = vector.broadcast %mul3A_206 : f32 to vector<16xf32>
        %mul3A_208 = arith.mulf %get3A_205, %mul3A_207 : vector<16xf32>
        %add3A_209 = arith.addf %mul3A_208, %get3A_118 : vector<16xf32>
        %add3A_210 = arith.constant 0 : i32
        %add3A_211 = arith.addi %add3A_210, %scan3A_160 : i32
        %swap3A_212 = arith.index_cast %add3A_211 : i32 to index
        %swap3A_213 = arith.index_cast %add3A_199 : i32 to index
        %swap3A_214 = tpu.vector_load %arg8[%swap3A_212, %swap3A_213] {strides = array<i32>} : memref<16x1024xf32, #tpu.memory_space<vmem>>, vector<1x16xf32>,
        %swap3A_215 = vector.shape_cast %swap3A_214 : vector<1x16xf32> to vector<16xf32>
        %swap3A_216 = vector.shape_cast %add3A_209 : vector<16xf32> to vector<1x16xf32>
        tpu.vector_store %arg8[%swap3A_212, %swap3A_213], %swap3A_216 {strides = array<i32>} : memref<16x1024xf32, #tpu.memory_space<vmem>>, vector<1x16xf32>,
        %add3A_217 = arith.constant 48 : i32
        %add3A_218 = arith.addi %mul3A_98, %add3A_217 : i32
        %add3A_219 = arith.constant 0 : i32
        %add3A_220 = arith.addi %add3A_219, %scan3A_160 : i32
        %get3A_221 = arith.index_cast %add3A_220 : i32 to index
        %get3A_222 = arith.index_cast %add3A_218 : i32 to index
        %get3A_223 = tpu.vector_load %arg8[%get3A_221, %get3A_222] {strides = array<i32>} : memref<16x1024xf32, #tpu.memory_space<vmem>>, vector<1x16xf32>,
        %get3A_224 = vector.shape_cast %get3A_223 : vector<1x16xf32> to vector<16xf32>
        %mul3A_225 = arith.constant 3.200000e+01 : f32
        %mul3A_226 = vector.broadcast %mul3A_225 : f32 to vector<16xf32>
        %mul3A_227 = arith.mulf %get3A_224, %mul3A_226 : vector<16xf32>
        %add3A_228 = arith.addf %mul3A_227, %get3A_125 : vector<16xf32>
        %add3A_229 = arith.constant 0 : i32
        %add3A_230 = arith.addi %add3A_229, %scan3A_160 : i32
        %swap3A_231 = arith.index_cast %add3A_230 : i32 to index
        %swap3A_232 = arith.index_cast %add3A_218 : i32 to index
        %swap3A_233 = tpu.vector_load %arg8[%swap3A_231, %swap3A_232] {strides = array<i32>} : memref<16x1024xf32, #tpu.memory_space<vmem>>, vector<1x16xf32>,
        %swap3A_234 = vector.shape_cast %swap3A_233 : vector<1x16xf32> to vector<16xf32>
        %swap3A_235 = vector.shape_cast %add3A_228 : vector<16xf32> to vector<1x16xf32>
        tpu.vector_store %arg8[%swap3A_231, %swap3A_232], %swap3A_235 {strides = array<i32>} : memref<16x1024xf32, #tpu.memory_space<vmem>>, vector<1x16xf32>,
        %add3A_236 = arith.constant 64 : i32
        %add3A_237 = arith.addi %mul3A_98, %add3A_236 : i32
        %add3A_238 = arith.constant 0 : i32
        %add3A_239 = arith.addi %add3A_238, %scan3A_160 : i32
        %get3A_240 = arith.index_cast %add3A_239 : i32 to index
        %get3A_241 = arith.index_cast %add3A_237 : i32 to index
        %get3A_242 = tpu.vector_load %arg8[%get3A_240, %get3A_241] {strides = array<i32>} : memref<16x1024xf32, #tpu.memory_space<vmem>>, vector<1x16xf32>,
        %get3A_243 = vector.shape_cast %get3A_242 : vector<1x16xf32> to vector<16xf32>
        %mul3A_244 = arith.constant 3.200000e+01 : f32
        %mul3A_245 = vector.broadcast %mul3A_244 : f32 to vector<16xf32>
        %mul3A_246 = arith.mulf %get3A_243, %mul3A_245 : vector<16xf32>
        %add3A_247 = arith.addf %mul3A_246, %get3A_132 : vector<16xf32>
        %add3A_248 = arith.constant 0 : i32
        %add3A_249 = arith.addi %add3A_248, %scan3A_160 : i32
        %swap3A_250 = arith.index_cast %add3A_249 : i32 to index
        %swap3A_251 = arith.index_cast %add3A_237 : i32 to index
        %swap3A_252 = tpu.vector_load %arg8[%swap3A_250, %swap3A_251] {strides = array<i32>} : memref<16x1024xf32, #tpu.memory_space<vmem>>, vector<1x16xf32>,
        %swap3A_253 = vector.shape_cast %swap3A_252 : vector<1x16xf32> to vector<16xf32>
        %swap3A_254 = vector.shape_cast %add3A_247 : vector<16xf32> to vector<1x16xf32>
        tpu.vector_store %arg8[%swap3A_250, %swap3A_251], %swap3A_254 {strides = array<i32>} : memref<16x1024xf32, #tpu.memory_space<vmem>>, vector<1x16xf32>,
        %add3A_255 = arith.constant 80 : i32
        %add3A_256 = arith.addi %mul3A_98, %add3A_255 : i32
        %add3A_257 = arith.constant 0 : i32
        %add3A_258 = arith.addi %add3A_257, %scan3A_160 : i32
        %get3A_259 = arith.index_cast %add3A_258 : i32 to index
        %get3A_260 = arith.index_cast %add3A_256 : i32 to index
        %get3A_261 = tpu.vector_load %arg8[%get3A_259, %get3A_260] {strides = array<i32>} : memref<16x1024xf32, #tpu.memory_space<vmem>>, vector<1x16xf32>,
        %get3A_262 = vector.shape_cast %get3A_261 : vector<1x16xf32> to vector<16xf32>
        %mul3A_263 = arith.constant 3.200000e+01 : f32
        %mul3A_264 = vector.broadcast %mul3A_263 : f32 to vector<16xf32>
        %mul3A_265 = arith.mulf %get3A_262, %mul3A_264 : vector<16xf32>
        %add3A_266 = arith.addf %mul3A_265, %get3A_139 : vector<16xf32>
        %add3A_267 = arith.constant 0 : i32
        %add3A_268 = arith.addi %add3A_267, %scan3A_160 : i32
        %swap3A_269 = arith.index_cast %add3A_268 : i32 to index
        %swap3A_270 = arith.index_cast %add3A_256 : i32 to index
        %swap3A_271 = tpu.vector_load %arg8[%swap3A_269, %swap3A_270] {strides = array<i32>} : memref<16x1024xf32, #tpu.memory_space<vmem>>, vector<1x16xf32>,
        %swap3A_272 = vector.shape_cast %swap3A_271 : vector<1x16xf32> to vector<16xf32>
        %swap3A_273 = vector.shape_cast %add3A_266 : vector<16xf32> to vector<1x16xf32>
        tpu.vector_store %arg8[%swap3A_269, %swap3A_270], %swap3A_273 {strides = array<i32>} : memref<16x1024xf32, #tpu.memory_space<vmem>>, vector<1x16xf32>,
        %add3A_274 = arith.constant 96 : i32
        %add3A_275 = arith.addi %mul3A_98, %add3A_274 : i32
        %add3A_276 = arith.constant 0 : i32
        %add3A_277 = arith.addi %add3A_276, %scan3A_160 : i32
        %get3A_278 = arith.index_cast %add3A_277 : i32 to index
        %get3A_279 = arith.index_cast %add3A_275 : i32 to index
        %get3A_280 = tpu.vector_load %arg8[%get3A_278, %get3A_279] {strides = array<i32>} : memref<16x1024xf32, #tpu.memory_space<vmem>>, vector<1x16xf32>,
        %get3A_281 = vector.shape_cast %get3A_280 : vector<1x16xf32> to vector<16xf32>
        %mul3A_282 = arith.constant 3.200000e+01 : f32
        %mul3A_283 = vector.broadcast %mul3A_282 : f32 to vector<16xf32>
        %mul3A_284 = arith.mulf %get3A_281, %mul3A_283 : vector<16xf32>
        %add3A_285 = arith.addf %mul3A_284, %get3A_146 : vector<16xf32>
        %add3A_286 = arith.constant 0 : i32
        %add3A_287 = arith.addi %add3A_286, %scan3A_160 : i32
        %swap3A_288 = arith.index_cast %add3A_287 : i32 to index
        %swap3A_289 = arith.index_cast %add3A_275 : i32 to index
        %swap3A_290 = tpu.vector_load %arg8[%swap3A_288, %swap3A_289] {strides = array<i32>} : memref<16x1024xf32, #tpu.memory_space<vmem>>, vector<1x16xf32>,
        %swap3A_291 = vector.shape_cast %swap3A_290 : vector<1x16xf32> to vector<16xf32>
        %swap3A_292 = vector.shape_cast %add3A_285 : vector<16xf32> to vector<1x16xf32>
        tpu.vector_store %arg8[%swap3A_288, %swap3A_289], %swap3A_292 {strides = array<i32>} : memref<16x1024xf32, #tpu.memory_space<vmem>>, vector<1x16xf32>,
        %add3A_293 = arith.constant 112 : i32
        %add3A_294 = arith.addi %mul3A_98, %add3A_293 : i32
        %add3A_295 = arith.constant 0 : i32
        %add3A_296 = arith.addi %add3A_295, %scan3A_160 : i32
        %get3A_297 = arith.index_cast %add3A_296 : i32 to index
        %get3A_298 = arith.index_cast %add3A_294 : i32 to index
        %get3A_299 = tpu.vector_load %arg8[%get3A_297, %get3A_298] {strides = array<i32>} : memref<16x1024xf32, #tpu.memory_space<vmem>>, vector<1x16xf32>,
        %get3A_300 = vector.shape_cast %get3A_299 : vector<1x16xf32> to vector<16xf32>
        %mul3A_301 = arith.constant 3.200000e+01 : f32
        %mul3A_302 = vector.broadcast %mul3A_301 : f32 to vector<16xf32>
        %mul3A_303 = arith.mulf %get3A_300, %mul3A_302 : vector<16xf32>
        %add3A_304 = arith.addf %mul3A_303, %get3A_153 : vector<16xf32>
        %add3A_305 = arith.constant 0 : i32
        %add3A_306 = arith.addi %add3A_305, %scan3A_160 : i32
        %swap3A_307 = arith.index_cast %add3A_306 : i32 to index
        %swap3A_308 = arith.index_cast %add3A_294 : i32 to index
        %swap3A_309 = tpu.vector_load %arg8[%swap3A_307, %swap3A_308] {strides = array<i32>} : memref<16x1024xf32, #tpu.memory_space<vmem>>, vector<1x16xf32>,
        %swap3A_310 = vector.shape_cast %swap3A_309 : vector<1x16xf32> to vector<16xf32>
        %swap3A_311 = vector.shape_cast %add3A_304 : vector<16xf32> to vector<1x16xf32>
        tpu.vector_store %arg8[%swap3A_307, %swap3A_308], %swap3A_311 {strides = array<i32>} : memref<16x1024xf32, #tpu.memory_space<vmem>>, vector<1x16xf32>,
      }
      %scan3A_159 = arith.constant 16 : i32
    }
    %scan3A_72 = arith.constant 8 : i32
    %add3A_73 = arith.constant 128 : i32
    %add3A_74 = arith.addi %mul3A_2, %add3A_73 : i32
    %sub3A = arith.constant 16 : i32
    %sub3A_75 = arith.subi %add3A_74, %sub3A : i32
    %dma_start3A_76 = arith.constant 0 : i32
    %dma_start3A_77 = arith.constant 0 : i32
    %dma_start3A_78 = tpu.memref_slice %arg5[%sub3A_75, %dma_start3A_76, %dma_start3A_77] : memref<4096x1x1024xf32, #tpu.memory_space<hbm>> -> memref<16x1x1024xf32, #tpu.memory_space<hbm>>
    %dma_start3A_79 = tpu.memref_squeeze %dma_start3A_78 : memref<16x1x1024xf32, #tpu.memory_space<hbm>> -> memref<16x1024xf32, #tpu.memory_space<hbm>>
    %dma_start3A_80 = arith.constant 0 : i32
    %dma_start3A_81 = tpu.memref_slice %arg5[%sub3A_75, %dma_start3A_76, %dma_start3A_80] : memref<4096x1x1024xf32, #tpu.memory_space<hbm>> -> memref<16x1x1024xf32, #tpu.memory_space<hbm>>
    %dma_start3A_82 = tpu.memref_squeeze %dma_start3A_81 : memref<16x1x1024xf32, #tpu.memory_space<hbm>> -> memref<16x1024xf32, #tpu.memory_space<hbm>>
    tpu.enqueue_dma source(%arg8 : memref<16x1024xf32, #tpu.memory_space<vmem>>) target(%dma_start3A_82 : memref<16x1024xf32, #tpu.memory_space<hbm>>) target_semaphore(%arg11 : memref<!tpu.dma_semaphore, #tpu.memory_space<semaphore_mem>>)
    %dma_wait3A_83 = arith.constant 0 : i32
    %dma_wait3A_84 = arith.constant 0 : i32
    %dma_wait3A_85 = tpu.memref_slice %arg5[%sub3A_75, %dma_wait3A_83, %dma_wait3A_84] : memref<4096x1x1024xf32, #tpu.memory_space<hbm>> -> memref<16x1x1024xf32, #tpu.memory_space<hbm>>
    %dma_wait3A_86 = tpu.memref_squeeze %dma_wait3A_85 : memref<16x1x1024xf32, #tpu.memory_space<hbm>> -> memref<16x1024xf32, #tpu.memory_space<hbm>>
    %dma_wait3A_87 = arith.constant 0 : i32
    %dma_wait3A_88 = tpu.memref_slice %arg5[%sub3A_75, %dma_wait3A_83, %dma_wait3A_87] : memref<4096x1x1024xf32, #tpu.memory_space<hbm>> -> memref<16x1x1024xf32, #tpu.memory_space<hbm>>
    %dma_wait3A_89 = tpu.memref_squeeze %dma_wait3A_88 : memref<16x1x1024xf32, #tpu.memory_space<hbm>> -> memref<16x1024xf32, #tpu.memory_space<hbm>>
    tpu.wait_dma2 semaphore(%arg11 : memref<!tpu.dma_semaphore, #tpu.memory_space<semaphore_mem>>) src(%arg8 : memref<16x1024xf32, #tpu.memory_space<vmem>>) dst(%dma_wait3A_89 : memref<16x1024xf32, #tpu.memory_space<hbm>>)
    %scan3A_90 = arith.constant 0 : i32
    %scan3A_91 = arith.constant 0 : i32
    %scan3A_92 = arith.constant 3 : i32
    %scan3A_93 = arith.addi %scan3A_91, %scan3A_92 : i32
    %scan3A_94 = arith.constant 1 : i32
    scf.for %scan3A_96 = %scan3A_91 to %scan3A_93 step %scan3A_94  : i32 {
      %add3A_97 = arith.constant 16 : i32
      %add3A_98 = arith.addi %mul3A_2, %add3A_97 : i32
      %dma_wait3A_99 = arith.constant 0 : i32
      %dma_wait3A_100 = arith.constant 0 : i32
      %dma_wait3A_101 = arith.constant 0 : i32
      %dma_wait3A_102 = tpu.memref_slice %arg9[%dma_wait3A_100, %dma_wait3A_101] : memref<96x1024xf32, #tpu.memory_space<vmem>> -> memref<32x1024xf32, #tpu.memory_space<vmem>>
      %dma_wait3A_103 = arith.constant 0 : i32
      %dma_wait3A_104 = tpu.memref_slice %arg5[%add3A_98, %dma_wait3A_99, %dma_wait3A_103] : memref<4096x1x1024xf32, #tpu.memory_space<hbm>> -> memref<32x1x1024xf32, #tpu.memory_space<hbm>>
      %dma_wait3A_105 = tpu.memref_squeeze %dma_wait3A_104 : memref<32x1x1024xf32, #tpu.memory_space<hbm>> -> memref<32x1024xf32, #tpu.memory_space<hbm>>
      %dma_wait3A_106 = tpu.memref_slice %arg13[%scan3A_96] : memref<3x!tpu.dma_semaphore, #tpu.memory_space<semaphore_mem>> -> memref<1x!tpu.dma_semaphore, #tpu.memory_space<semaphore_mem>>
      %dma_wait3A_107 = tpu.memref_squeeze %dma_wait3A_106 : memref<1x!tpu.dma_semaphore, #tpu.memory_space<semaphore_mem>> -> memref<!tpu.dma_semaphore, #tpu.memory_space<semaphore_mem>>
      %dma_wait3A_108 = arith.constant 0 : i32
      %dma_wait3A_109 = tpu.memref_slice %arg5[%add3A_98, %dma_wait3A_99, %dma_wait3A_108] : memref<4096x1x1024xf32, #tpu.memory_space<hbm>> -> memref<32x1x1024xf32, #tpu.memory_space<hbm>>
      %dma_wait3A_110 = tpu.memref_squeeze %dma_wait3A_109 : memref<32x1x1024xf32, #tpu.memory_space<hbm>> -> memref<32x1024xf32, #tpu.memory_space<hbm>>
      %dma_wait3A_111 = arith.constant 0 : i32
      %dma_wait3A_112 = arith.constant 0 : i32
      %dma_wait3A_113 = tpu.memref_slice %arg9[%dma_wait3A_111, %dma_wait3A_112] : memref<96x1024xf32, #tpu.memory_space<vmem>> -> memref<32x1024xf32, #tpu.memory_space<vmem>>
      tpu.wait_dma2 semaphore(%dma_wait3A_107 : memref<!tpu.dma_semaphore, #tpu.memory_space<semaphore_mem>>) src(%dma_wait3A_113 : memref<32x1024xf32, #tpu.memory_space<vmem>>) dst(%dma_wait3A_110 : memref<32x1024xf32, #tpu.memory_space<hbm>>)
    }
    %scan3A_95 = arith.constant 3 : i32
    return
  }
}

</mosaic_0001>

<sc_bundles>
// kernel: kernel.3.cloned.1.call-start
scs
__scs_entry_jumppad:
0x0: {  	(pc) =	sbr.rel $0x88, $3  }
0x1: {  	(tag) =	ssettag $0x0;
	lr =	simm.s32 $0x1  }
0x2: {  	[smem:$0x3F9E] =	sst lr;
	_ =	strace $0xD0000000  }
0x3: {  	_ = 	snop  }
0x4: {  	_ = 	snop  }
0x5: {  	_ = 	snop  }
0x6: {  	_ = 	snop  }
0x7: {  	_ = 	snop  }
__scs_overlays_trampoline_lowered:
0x8: {  	[smem:$0x3FAD] =	sst s0  }
0x9: {  	[smem:$0x3FAE] =	sst s1  }
0xa: {  	[smem:$0x3FAF] =	sst s2  }
0xb: {  	[smem:$0x3FB0] =	sst s3  }
0xc: {  	[smem:$0x3FB1] =	sst s4  }
0xd: {  	[smem:$0x3FB2] =	sst s5  }
0xe: {  	[smem:$0x3FB3] =	sst s6  }
0xf: {  	[smem:$0x3FB4] =	sst s7  }
0x10: {  	[smem:$0x3FB5] =	sst s8  }
0x11: {  	[smem:$0x3FB6] =	sst s9;
	s0 =	simm.s32 @!p0 $0x0  }
0x12: {  	s1 =	sld [smem:$0x3F9C];
	s0 =	simm.s32 @p0 $0x1  }
0x13: {  	[smem:$0x3FB7] =	sst s0;
	s0 =	simm.s32 @!p1 $0x0  }
0x14: {  	s2 =	sld [smem:$0x3F9B];
	s0 =	simm.s32 @p1 $0x1  }
0x15: {  	[smem:$0x3FB8] =	sst s0;
	s0 =	simm.s32 @!p2 $0x0  }
0x16: {  	s3 =	sld [smem:$0x3FDB];
	s0 =	simm.s32 @p2 $0x1  }
0x17: {  	s4 =	simm.s32 $0x1BF5;
	[smem:$0x3FBA] =	sst s0  }
0x18: {  	s0 =	sld [smem:$0x3F9D];
	_ =	swait.ge [sflag:s4], $0x0  }
0x19: {  	s7 =	sld [smem:$0x3F9E]  }
0x1a: {  	s8 =	sadd.s32 $0xFFFFE003, lr  }
0x1b: {  	s9 =	sadd.s32 $0xFFFFFEF7, lr;
	s5 =	simm.s32 $0xFFFFFFFF;
	p2 =	slt.u32 s8, $0xFFFFF086  }
0x1c: {  	p1 =	slt.u32 s9, $0xF7A;
	s5 =	simm.s32 @!p2 $0x0  }
0x1d: {  	s5 =	simm.s32 @p1 $0x1;
	p0 =	seq.s32 s7, s2  }
0x1e: {  	s7 =	smul.u32 @!p0 $0xF7A, s2;
	p2 =	seq.s32 @!p0 s5, $0x0  }
0x1f: {  	s9 =	smul.u32 $0xF7A, s1;
	s8 =	simm.s32 @!p0 $0x1BF5;
	p2 =	por !p2, p0  }
0x20: {  	[sflag:s8] =	ssyncset.s32 @!p0 $0xFFFFF086;
	s6 =	sadd.s32 @!p0 s3, s7;
	s7 =	simm.s32 @!p0 $0x108  }
0x21: {  	s3 =	sadd.s32 s3, s9;
	s6 =	sadd.s32 @!p0 $0x88, s6;
	s7 =	simm.s32 @p2 $0x1082  }
0x22: {  	[simem:s7], [sflag:s8] =	dma.local @!p0 [hbm:s6], $0xF7A  }
0x23: {  	s9 =	sor.u32 $0xD0000000, s2;
	s6 =	simm.s32 $0x108;
	_ =	swait.ge @!p0 [sflag:s8], $0x0  }
0x24: {  	s3 =	sadd.s32 $0x88, s3;
	s6 =	simm.s32 @!p1 $0x1082;
	[sflag:s4] =	ssyncset.s32 $0xFFFFF086  }
0x25: {  	[simem:s6], [sflag:s4] =	dma.local [hbm:s3], $0xF7A  }
0x26: {  	[smem:$0x3F9E] =	sst s1;
	(tag) =	ssettag s2;
	_ =	strace s9  }
0x27: {  	s1 =	sld [smem:$0x3FAE]  }
0x28: {  	s2 =	sld [smem:$0x3FAF]  }
0x29: {  	s4 =	sld [smem:$0x3FB1]  }
0x2a: {  	p0 =	seq.s32 s5, $0x0;
	s5 =	sld [smem:$0x3FB2]  }
0x2b: {  	s6 =	sld [smem:$0x3FB3]  }
0x2c: {  	s7 =	sld [smem:$0x3FB4]  }
0x2d: {  	s3 =	simm.s32 $0x108;
	s8 =	sld [smem:$0x3FB5]  }
0x2e: {  	s3 =	simm.s32 @!p0 $0x1082;
	s9 =	sld [smem:$0x3FB6]  }
0x2f: {  	lr =	sadd.s32 s0, s3;
	s0 =	sld [smem:$0x3FAD]  }
0x30: {  	s3 =	sld [smem:$0x3FB0]  }
0x31: {  	[smem:$0x3FB9] =	sst s10  }
0x32: {  	s10 =	sld [smem:$0x3FB7];
	_ =	sdelay $0x3  }
0x33: {  	p0 =	seq.s32 s10, $0x1;
	s10 =	sld [smem:$0x3FB9];
	_ =	sdelay $0x3  }
0x34: {  	[smem:$0x3FB9] =	sst s10  }
0x35: {  	s10 =	sld [smem:$0x3FB8];
	_ =	sdelay $0x3  }
0x36: {  	p1 =	seq.s32 s10, $0x1;
	s10 =	sld [smem:$0x3FB9];
	_ =	sdelay $0x3  }
0x37: {  	[smem:$0x3FB9] =	sst s10  }
0x38: {  	s10 =	sld [smem:$0x3FBA]  }
0x39: {  	_ = 	snop;
	(pc) =	sbr.ind lr, $3  }
0x3a: {  	_ = 	snop  }
0x3b: {  	_ = 	snop  }
0x3c: {  	p2 =	seq.s32 s10, $0x1;
	s10 =	sld [smem:$0x3FB9]  }
0x3d: {  	_ =	shalt  }
0x3e: {  	_ =	shalt  }
0x3f: {  	_ =	shalt  }
0x40: {  	_ =	shalt  }
0x41: {  	_ =	shalt  }
0x42: {  	_ =	shalt  }
0x43: {  	_ =	shalt  }
0x44: {  	_ =	shalt  }
0x45: {  	_ =	shalt  }
0x46: {  	_ =	shalt  }
0x47: {  	_ =	shalt  }
0x48: {  	_ =	shalt  }
0x49: {  	_ =	shalt  }
0x4a: {  	_ =	shalt  }
0x4b: {  	_ =	shalt  }
0x4c: {  	_ =	shalt  }
0x4d: {  	_ =	shalt  }
0x4e: {  	_ =	shalt  }
0x4f: {  	_ =	shalt  }
0x50: {  	_ =	shalt  }
0x51: {  	_ =	shalt  }
0x52: {  	_ =	shalt  }
0x53: {  	_ =	shalt  }
0x54: {  	_ =	shalt  }
0x55: {  	_ =	shalt  }
0x56: {  	_ =	shalt  }
0x57: {  	_ =	shalt  }
0x58: {  	_ =	shalt  }
0x59: {  	_ =	shalt  }
0x5a: {  	_ =	shalt  }
0x5b: {  	_ =	shalt  }
0x5c: {  	_ =	shalt  }
0x5d: {  	_ =	shalt  }
0x5e: {  	_ =	shalt  }
0x5f: {  	_ =	shalt  }
0x60: {  	_ =	shalt  }
0x61: {  	_ =	shalt  }
0x62: {  	_ =	shalt  }
0x63: {  	_ =	shalt  }
0x64: {  	_ =	shalt  }
0x65: {  	_ =	shalt  }
0x66: {  	_ =	shalt  }
0x67: {  	_ =	shalt  }
0x68: {  	_ =	shalt  }
0x69: {  	_ =	shalt  }
0x6a: {  	_ =	shalt  }
0x6b: {  	_ =	shalt  }
0x6c: {  	_ =	shalt  }
0x6d: {  	_ =	shalt  }
0x6e: {  	_ =	shalt  }
0x6f: {  	_ =	shalt  }
0x70: {  	_ =	shalt  }
0x71: {  	_ =	shalt  }
0x72: {  	_ =	shalt  }
0x73: {  	_ =	shalt  }
0x74: {  	_ =	shalt  }
0x75: {  	_ =	shalt  }
0x76: {  	_ =	shalt  }
0x77: {  	_ =	shalt  }
0x78: {  	_ =	shalt  }
0x79: {  	_ =	shalt  }
0x7a: {  	_ =	shalt  }
0x7b: {  	_ =	shalt  }
0x7c: {  	_ =	shalt  }
0x7d: {  	_ =	shalt  }
0x7e: {  	_ =	shalt  }
0x7f: {  	_ =	shalt  }
0x80: {  	_ =	shalt  }
0x81: {  	_ =	shalt  }
0x82: {  	_ =	shalt  }
0x83: {  	_ =	shalt  }
0x84: {  	_ =	shalt  }
0x85: {  	_ =	shalt  }
0x86: {  	_ =	shalt  }
0x87: {  	_ =	shalt  }
.Lfunc_end0:
.L_simem_size_0:
called_computation_lowered:
.L_overlay_start_0:
0x88: {  	s2 =	sld [smem:$0x3FD9]  }
0x89: {  	s3 =	sld [smem:$0x3FFE];
	_ =	sdelay $0x1  }
0x8a: {  	s1 =	srdreg.scid  }
0x8b: {  	s0 =	sand.u32 $0x1, s1  }
0x8c: {  	s18 =	sshll.u32 s0, $0xA;
	s2 =	sadd.s32 s3, s2  }
0x8d: {  	s2 =	sadd.s32 s2, s18  }
0x8e: {  	[smem:$0x3FC5] =	sst s2  }
0x8f: {  	_ = 	snop  }
0x90: {  	s2 =	sld [smem:$0x3FC9]  }
0x91: {  	s19 =	sld [smem:$0x3FC8]  }
0x92: {  	s4 =	sld [smem:$0x3FC7]  }
0x93: {  	s5 =	sld [smem:$0x3FD0];
	(tm) =	ssettm $0x1  }
0x94: {  	s6 =	sld [smem:$0x3FFB];
	_ =	sdelay $0x3  }
0x95: {  	_ =	strace s6  }
0x96: {  	s6 =	sld [smem:$0x3FFC];
	_ =	sdelay $0x3  }
0x97: {  	_ =	strace s6  }
0x98: {  	s6 =	sld [smem:$0x3FFD];
	_ =	sdelay $0x3  }
0x99: {  	_ =	strace s6  }
0x9a: {  	_ =	strace $0x8FFFFFFF  }
0x9b: {  	s20 =	sld [smem:$0x3FDB];
	_ =	sdelay $0x1  }
0x9c: {  	s7 =	simm.s32 $_scs_section_size  }
0x9d: {  	s8 =	simm.s32 $_size__tile_overlayer_lowered;
	s9 =	simm.s32 $_tile_overlayer_lowered  }
0x9e: {  	s23 =	simm.s32 $0x1BFF;
	s22 =	sshll.u32 s9, $0x1;
	s6 =	sadd.s32 s7, s20  }
0x9f: {  	s10 =	simm.s32 $0x0;
	s21 =	sshll.u32 s8, $0x1;
	s8 =	sadd.s32 s22, s6  }
0xa0: {  	[timem:s10], [sflag:s23] =	dma.local [hbm:s8], s21  }
0xa1: {  	_ =	swait.ge [sflag:s23], s21  }
0xa2: {  	s7 =	ssub.s32 $0x0, s21;
	[sflag:s23] =	ssyncset.done $0x0  }
0xa3: {  	[sflag:s23] =	ssyncadd.s32 s7;
	_ =	sdelay $0x1  }
0xa4: {  	s24 =	simm.s32 $0x1B8B  }
0xa5: {  	_ =	swait.ge [sflag:s24], $0x1  }
0xa6: {  	[sflag:s24] =	ssyncset.done $0x0  }
0xa7: {  	s25 =	simm.s32 $0x1B8E;
	[sflag:s24] =	ssyncadd.s32 $0xFFFFFFFF  }
0xa8: {  	s26 =	simm.s32 $execute0_lowered;
	[smem:$0x3FD2] =	sst s25  }
0xa9: {  	s7 =	sshll.u32 s26, $0x1;
	_ =	strace $0x80000046;
	[dreg:$0x1] =	wrdreg $0xFFFFFFFF  }
0xaa: {  	s28 =	simm.s32 $_size_execute0_lowered;
	s6 =	sadd.s32 s6, s7;
	[dreg:$0x0] =	wrdreg $0x0  }
0xab: {  	s7 =	sshll.u32 s28, $0x1;
	[dreg:$0x2] =	wrdreg s6  }
0xac: {  	[dreg:$0x3] =	wrdreg s7  }
0xad: {  	[dreg:$0x4] =	wrdreg $0xC0  }
0xae: {  	_ =	task [dreg:s10], $0x5FFFF  }
0xaf: {  	[dreg:$0x1] =	wrdreg $0xFFFFFFFF  }
0xb0: {  	[dreg:$0x0] =	wrdreg $0x60  }
0xb1: {  	[dreg:$0x2] =	wrdreg s2  }
0xb2: {  	[dreg:$0x3] =	wrdreg s19  }
0xb3: {  	[dreg:$0x4] =	wrdreg s4  }
0xb4: {  	[dreg:$0x5] =	wrdreg s5  }
0xb5: {  	[dreg:$0x6] =	wrdreg $0x9  }
0xb6: {  	_ =	task.clear_ibuf [dreg:s10], $0x7FFFF;
	_ =	strace $0x90000046  }
0xb7: {  	s29 =	simm.s32 $0x9;
	_ =	strace $0x80000048  }
0xb8: {  	_ =	swait.ge [sflag:s29], $0x1  }
0xb9: {  	[sflag:s29] =	ssyncadd.s32 $0xFFFFFFFF  }
0xba: {  	_ =	strace $0x90000048  }
0xbb: {  	_ =	sfence  }
0xbc: {  	s30 =	sld [smem:$0x0];
	_ =	sdelay $0x2  }
0xbd: {  	s31 =	sshll.u32 s1, $0xD;
	s1 =	sshrl.u32 s1, $0x2  }
0xbe: {  	s3 =	sand.u32 $0x4000, s31;
	s1 =	sadd.s32 s1, s30  }
0xbf: {  	s0 =	sor.u32 s3, s0;
	s1 =	sshll.u32 s1, $0x11  }
0xc0: {  	s0 =	sor.u32 s1, s0  }
0xc1: {  	s0 =	sadd.s32 $0x8F2B, s0  }
0xc2: {  	[sflag:s0] =	ssyncadd.remote.s32 $0x1  }
0xc3: {  	_ =	sfence.sel $0xFFFF  }
0xc4: {  	[dreg:$0x0] =	wrdreg $0xFFFFFFFF;
	(pc) =	sbr.abs _section_cstart, $3  }
0xc5: {  	[dreg:$0x1] =	wrdreg $0xFFFFFFFF  }
0xc6: {  	_ =	task.clear_ibuf [dreg:s10], $0x2FFFF;
	_ =	strace $0x9FFFFFFF  }
0xc7: {  	(tm) =	ssettm $0x7FFFFFFF  }
tec
execute0_lowered:
.L_overlay_start_1:
0x0: {  	(tag) =	ssettag $0x1  }
0x1: {  	s0 =	rddreg [dreg:$0x0]  }
0x2: {  	s2 =	rddreg [dreg:$0x1];
	s1 =	srdreg.scid  }
0x3: {  	s3 =	rddreg [dreg:$0x3];
	s4 =	stileid.u32;
	s14 =	simm.s32 $0x9  }
0x4: {  	s20 =	simm.s32 $0x480;
	s15 =	simm.s32 $0x2480;
	s16 =	simm.s32 $0x2C80  }
0x5: {  	s17 =	simm.s32 $0x3480;
	s28 =	simm.s32 $0x80;
	s29 =	simm.s32 $0x1  }
0x6: {  	s30 =	simm.s32 $0x400;
	s13 =	simm.s32 $0x6;
	s31 =	simm.s32 $0x7  }
0x7: {  	s1 =	sand.u32 $0x1, s1;
	s5 =	sshll.u32 s4, $0x8;
	s4 =	simm.s32 $0x0  }
0x8: {  	s8 =	sadd.s32 $0x200, s2;
	s9 =	sadd.s32 $0x300, s2;
	s11 =	sadd.s32 $0x800, s3  }
0x9: {  	s6 =	sshll.u32 s1, $0x7;
	s1 =	ssub.s32 $0x2, s1;
	[smem:$0x7FF] =	sst s4  }
0xa: {  	s5 =	sor.u32 s6, s5;
	s24 =	sshrl.u32 s1, $0x1;
	_ =	strace $0x80000047  }
0xb: {  	s7 =	sshrl.u32 s5, $0x3;
	s1 =	ssub.s32 s1, s24;
	s25 =	sshll.u32 s5, $0x7  }
0xc: {  	s24 =	simm.s32 $0xC80;
	s0 =	sadd.s32 s0, s7;
	s7 =	sadd.s32 $0x100, s2  }
0xd: {  	v2 =	vlaneseq.u32;
	s10 =	sadd.s32 s3, s25;
	s26 =	smax.u32 s1, $0x1;
	s25 =	simm.s32 $0x1480  }
0xe: {  	vm0 =	vmmov $0xffff;
	v1 =	vshrl.u32 v2, $0x3;
	s1 =	simm.s32 $0x0;
	[dreg:$0x5] =	wrdreg s0;
	s12 =	sadd.s32 $0x3800, s10  }
0xf: {  	v0 =	vand.u32 $0x7, v2;
	v2 =	vor.u32 $0x8, v2;
	v1 =	vmul.u32 $0x8, v1;
	[dreg:$0x6] =	wrdreg s26;
	s26 =	simm.s32 $0x1C80;
	s0 =	simm.s32 $0x8  }
.LBB2_1:
0x10: {  	s3 =	rddreg [dreg:$0x5]  }
0x11: {  	[tilespmem:s4], [sflag:$0x9] =	stream.linear.gather [hbm4b:s3+s4], $0x80, $0x38;
	[tilespmem:$0x1C480] =	vst v63  }
0x12: {  	_ =	swait.ge [sflag:s14], $0x80  }
0x13: {  	[sflag:s14] =	ssyncset.done $0x0  }
0x14: {  	[sflag:s14] =	ssyncadd.s32 $0xFFFFFF80  }
0x15: {  	v3 =	vld [tilespmem:$0x0];
	_ =	sdelay $0x4  }
0x16: {  	v4 =	vshll.u32 v3, $0x3  }
0x17: {  	v3 =	vand.u32 $0x7, v3;
	v4 =	vand.u32 $0xFFFFFFC0, v4  }
0x18: {  	v3 =	vor.u32 v3, v4  }
0x19: {  	v4 =	vperm.xlane v3, v0;
	_ =	sdelay $0x1  }
0x1a: {  	v4 =	vadd.s32 v1, v4;
	_ =	sdelay $0x4  }
0x1b: {  	[tilespmem:s20], [sflag:$0x1] =	stream.indirect_vreg.gather [hbm4b:s2+s4], $0x80, v4, vm0, $0xb8;
	[tilespmem:$0x1C480] =	vst v63  }
0x1c: {  	v3 =	vperm.xlane v3, v2  }
0x1d: {  	[tilespmem:s24], [sflag:$0x1] =	stream.indirect_vreg.gather [hbm4b:s7+s4], $0x80, v4, vm0, $0xb8;
	[tilespmem:$0x1C480] =	vst v63  }
0x1e: {  	v3 =	vadd.s32 v1, v3  }
0x1f: {  	[tilespmem:s25], [sflag:$0x1] =	stream.indirect_vreg.gather [hbm4b:s8+s4], $0x80, v4, vm0, $0xb8;
	[tilespmem:$0x1C480] =	vst v63  }
0x20: {  	_ = 	snop  }
0x21: {  	[tilespmem:s26], [sflag:$0x1] =	stream.indirect_vreg.gather [hbm4b:s9+s4], $0x80, v4, vm0, $0xb8;
	[tilespmem:$0x1C480] =	vst v63  }
0x22: {  	_ = 	snop  }
0x23: {  	[tilespmem:s15], [sflag:$0x1] =	stream.indirect_vreg.gather [hbm4b:s2+s4], $0x80, v3, vm0, $0xb8;
	[tilespmem:$0x1C480] =	vst v63  }
0x24: {  	_ = 	snop  }
0x25: {  	[tilespmem:s16], [sflag:$0x1] =	stream.indirect_vreg.gather [hbm4b:s7+s4], $0x80, v3, vm0, $0xb8;
	[tilespmem:$0x1C480] =	vst v63  }
0x26: {  	_ = 	snop  }
0x27: {  	[tilespmem:s17], [sflag:$0x1] =	stream.indirect_vreg.gather [hbm4b:s8+s4], $0x80, v3, vm0, $0xb8;
	[tilespmem:$0x1C480] =	vst v63  }
0x28: {  	s19 =	simm.s32 $0x3C80  }
0x29: {  	[tilespmem:s19], [sflag:$0x1] =	stream.indirect_vreg.gather [hbm4b:s9+s4], $0x80, v3, vm0, $0xb8;
	[tilespmem:$0x1C480] =	vst v63  }
0x2a: {  	v3 =	vld [tilespmem:$0x10];
	_ =	sdelay $0x4  }
0x2b: {  	v58 =	vshll.u32 v3, $0x3  }
0x2c: {  	v3 =	vand.u32 $0x7, v3;
	v4 =	vand.u32 $0xFFFFFFC0, v58  }
0x2d: {  	v3 =	vor.u32 v3, v4  }
0x2e: {  	v4 =	vperm.xlane v3, v0;
	_ =	sdelay $0x1  }
0x2f: {  	v4 =	vadd.s32 v1, v4;
	_ =	sdelay $0x3  }
0x30: {  	s23 =	simm.s32 $0x4480  }
0x31: {  	[tilespmem:s23], [sflag:$0x3] =	stream.indirect_vreg.gather [hbm4b:s2+s4], $0x80, v4, vm0, $0xb8;
	[tilespmem:$0x1C480] =	vst v63  }
0x32: {  	s15 =	simm.s32 $0x4C80;
	v3 =	vperm.xlane v3, v2  }
0x33: {  	[tilespmem:s15], [sflag:$0x3] =	stream.indirect_vreg.gather [hbm4b:s7+s4], $0x80, v4, vm0, $0xb8;
	[tilespmem:$0x1C480] =	vst v63  }
0x34: {  	s16 =	simm.s32 $0x5480;
	v3 =	vadd.s32 v1, v3  }
0x35: {  	[tilespmem:s16], [sflag:$0x3] =	stream.indirect_vreg.gather [hbm4b:s8+s4], $0x80, v4, vm0, $0xb8;
	[tilespmem:$0x1C480] =	vst v63  }
0x36: {  	s17 =	simm.s32 $0x5C80  }
0x37: {  	[tilespmem:s17], [sflag:$0x3] =	stream.indirect_vreg.gather [hbm4b:s9+s4], $0x80, v4, vm0, $0xb8;
	[tilespmem:$0x1C480] =	vst v63  }
0x38: {  	s18 =	simm.s32 $0x6480  }
0x39: {  	[tilespmem:s18], [sflag:$0x3] =	stream.indirect_vreg.gather [hbm4b:s2+s4], $0x80, v3, vm0, $0xb8;
	[tilespmem:$0x1C480] =	vst v63  }
0x3a: {  	s19 =	simm.s32 $0x6C80  }
0x3b: {  	[tilespmem:s19], [sflag:$0x3] =	stream.indirect_vreg.gather [hbm4b:s7+s4], $0x80, v3, vm0, $0xb8;
	[tilespmem:$0x1C480] =	vst v63  }
0x3c: {  	s23 =	simm.s32 $0x7480  }
0x3d: {  	[tilespmem:s23], [sflag:$0x3] =	stream.indirect_vreg.gather [hbm4b:s8+s4], $0x80, v3, vm0, $0xb8;
	[tilespmem:$0x1C480] =	vst v63  }
0x3e: {  	s15 =	simm.s32 $0x7C80  }
0x3f: {  	[tilespmem:s15], [sflag:$0x3] =	stream.indirect_vreg.gather [hbm4b:s9+s4], $0x80, v3, vm0, $0xb8;
	[tilespmem:$0x1C480] =	vst v63  }
0x40: {  	v3 =	vld [tilespmem:$0x20];
	_ =	sdelay $0x4  }
0x41: {  	v59 =	vshll.u32 v3, $0x3  }
0x42: {  	v3 =	vand.u32 $0x7, v3;
	v4 =	vand.u32 $0xFFFFFFC0, v59  }
0x43: {  	v3 =	vor.u32 v3, v4  }
0x44: {  	v4 =	vperm.xlane v3, v0;
	_ =	sdelay $0x1  }
0x45: {  	v4 =	vadd.s32 v1, v4;
	_ =	sdelay $0x3  }
0x46: {  	s16 =	simm.s32 $0x8480  }
0x47: {  	[tilespmem:s16], [sflag:$0x3] =	stream.indirect_vreg.gather [hbm4b:s2+s4], $0x80, v4, vm0, $0xb8;
	[tilespmem:$0x1C480] =	vst v63  }
0x48: {  	s17 =	simm.s32 $0x8C80;
	v3 =	vperm.xlane v3, v2  }
0x49: {  	[tilespmem:s17], [sflag:$0x3] =	stream.indirect_vreg.gather [hbm4b:s7+s4], $0x80, v4, vm0, $0xb8;
	[tilespmem:$0x1C480] =	vst v63  }
0x4a: {  	s18 =	simm.s32 $0x9480;
	v3 =	vadd.s32 v1, v3  }
0x4b: {  	[tilespmem:s18], [sflag:$0x3] =	stream.indirect_vreg.gather [hbm4b:s8+s4], $0x80, v4, vm0, $0xb8;
	[tilespmem:$0x1C480] =	vst v63  }
0x4c: {  	s19 =	simm.s32 $0x9C80  }
0x4d: {  	[tilespmem:s19], [sflag:$0x3] =	stream.indirect_vreg.gather [hbm4b:s9+s4], $0x80, v4, vm0, $0xb8;
	[tilespmem:$0x1C480] =	vst v63  }
0x4e: {  	s23 =	simm.s32 $0xA480  }
0x4f: {  	[tilespmem:s23], [sflag:$0x3] =	stream.indirect_vreg.gather [hbm4b:s2+s4], $0x80, v3, vm0, $0xb8;
	[tilespmem:$0x1C480] =	vst v63  }
0x50: {  	s15 =	simm.s32 $0xAC80  }
0x51: {  	[tilespmem:s15], [sflag:$0x3] =	stream.indirect_vreg.gather [hbm4b:s7+s4], $0x80, v3, vm0, $0xb8;
	[tilespmem:$0x1C480] =	vst v63  }
0x52: {  	s16 =	simm.s32 $0xB480  }
0x53: {  	[tilespmem:s16], [sflag:$0x3] =	stream.indirect_vreg.gather [hbm4b:s8+s4], $0x80, v3, vm0, $0xb8;
	[tilespmem:$0x1C480] =	vst v63  }
0x54: {  	s17 =	simm.s32 $0xBC80  }
0x55: {  	[tilespmem:s17], [sflag:$0x3] =	stream.indirect_vreg.gather [hbm4b:s9+s4], $0x80, v3, vm0, $0xb8;
	[tilespmem:$0x1C480] =	vst v63  }
0x56: {  	v3 =	vld [tilespmem:$0x30];
	_ =	sdelay $0x4  }
0x57: {  	v60 =	vshll.u32 v3, $0x3  }
0x58: {  	v3 =	vand.u32 $0x7, v3;
	v4 =	vand.u32 $0xFFFFFFC0, v60  }
0x59: {  	v3 =	vor.u32 v3, v4  }
0x5a: {  	v4 =	vperm.xlane v3, v0;
	_ =	sdelay $0x1  }
0x5b: {  	v4 =	vadd.s32 v1, v4;
	_ =	sdelay $0x3  }
0x5c: {  	s18 =	simm.s32 $0xC480  }
0x5d: {  	[tilespmem:s18], [sflag:$0x4] =	stream.indirect_vreg.gather [hbm4b:s2+s4], $0x80, v4, vm0, $0xb8;
	[tilespmem:$0x1C480] =	vst v63  }
0x5e: {  	s19 =	simm.s32 $0xCC80;
	v3 =	vperm.xlane v3, v2  }
0x5f: {  	[tilespmem:s19], [sflag:$0x4] =	stream.indirect_vreg.gather [hbm4b:s7+s4], $0x80, v4, vm0, $0xb8;
	[tilespmem:$0x1C480] =	vst v63  }
0x60: {  	s23 =	simm.s32 $0xD480;
	v3 =	vadd.s32 v1, v3  }
0x61: {  	[tilespmem:s23], [sflag:$0x4] =	stream.indirect_vreg.gather [hbm4b:s8+s4], $0x80, v4, vm0, $0xb8;
	[tilespmem:$0x1C480] =	vst v63  }
0x62: {  	s15 =	simm.s32 $0xDC80  }
0x63: {  	[tilespmem:s15], [sflag:$0x4] =	stream.indirect_vreg.gather [hbm4b:s9+s4], $0x80, v4, vm0, $0xb8;
	[tilespmem:$0x1C480] =	vst v63  }
0x64: {  	s16 =	simm.s32 $0xE480  }
0x65: {  	[tilespmem:s16], [sflag:$0x4] =	stream.indirect_vreg.gather [hbm4b:s2+s4], $0x80, v3, vm0, $0xb8;
	[tilespmem:$0x1C480] =	vst v63  }
0x66: {  	s17 =	simm.s32 $0xEC80  }
0x67: {  	[tilespmem:s17], [sflag:$0x4] =	stream.indirect_vreg.gather [hbm4b:s7+s4], $0x80, v3, vm0, $0xb8;
	[tilespmem:$0x1C480] =	vst v63  }
0x68: {  	s18 =	simm.s32 $0xF480  }
0x69: {  	[tilespmem:s18], [sflag:$0x4] =	stream.indirect_vreg.gather [hbm4b:s8+s4], $0x80, v3, vm0, $0xb8;
	[tilespmem:$0x1C480] =	vst v63  }
0x6a: {  	s19 =	simm.s32 $0xFC80  }
0x6b: {  	[tilespmem:s19], [sflag:$0x4] =	stream.indirect_vreg.gather [hbm4b:s9+s4], $0x80, v3, vm0, $0xb8;
	[tilespmem:$0x1C480] =	vst v63  }
0x6c: {  	v3 =	vld [tilespmem:$0x40];
	_ =	sdelay $0x4  }
0x6d: {  	v61 =	vshll.u32 v3, $0x3  }
0x6e: {  	v3 =	vand.u32 $0x7, v3;
	v4 =	vand.u32 $0xFFFFFFC0, v61  }
0x6f: {  	v3 =	vor.u32 v3, v4  }
0x70: {  	v4 =	vperm.xlane v3, v0;
	_ =	sdelay $0x1  }
0x71: {  	v4 =	vadd.s32 v1, v4;
	_ =	sdelay $0x3  }
0x72: {  	s23 =	simm.s32 $0x10480  }
0x73: {  	[tilespmem:s23], [sflag:$0x4] =	stream.indirect_vreg.gather [hbm4b:s2+s4], $0x80, v4, vm0, $0xb8;
	[tilespmem:$0x1C480] =	vst v63  }
0x74: {  	s15 =	simm.s32 $0x10C80;
	v3 =	vperm.xlane v3, v2  }
0x75: {  	[tilespmem:s15], [sflag:$0x4] =	stream.indirect_vreg.gather [hbm4b:s7+s4], $0x80, v4, vm0, $0xb8;
	[tilespmem:$0x1C480] =	vst v63  }
0x76: {  	s16 =	simm.s32 $0x11480;
	v3 =	vadd.s32 v1, v3  }
0x77: {  	[tilespmem:s16], [sflag:$0x4] =	stream.indirect_vreg.gather [hbm4b:s8+s4], $0x80, v4, vm0, $0xb8;
	[tilespmem:$0x1C480] =	vst v63  }
0x78: {  	s17 =	simm.s32 $0x11C80  }
0x79: {  	[tilespmem:s17], [sflag:$0x4] =	stream.indirect_vreg.gather [hbm4b:s9+s4], $0x80, v4, vm0, $0xb8;
	[tilespmem:$0x1C480] =	vst v63  }
0x7a: {  	s18 =	simm.s32 $0x12480  }
0x7b: {  	[tilespmem:s18], [sflag:$0x4] =	stream.indirect_vreg.gather [hbm4b:s2+s4], $0x80, v3, vm0, $0xb8;
	[tilespmem:$0x1C480] =	vst v63  }
0x7c: {  	s19 =	simm.s32 $0x12C80  }
0x7d: {  	[tilespmem:s19], [sflag:$0x4] =	stream.indirect_vreg.gather [hbm4b:s7+s4], $0x80, v3, vm0, $0xb8;
	[tilespmem:$0x1C480] =	vst v63  }
0x7e: {  	s23 =	simm.s32 $0x13480  }
0x7f: {  	[tilespmem:s23], [sflag:$0x4] =	stream.indirect_vreg.gather [hbm4b:s8+s4], $0x80, v3, vm0, $0xb8;
	[tilespmem:$0x1C480] =	vst v63  }
0x80: {  	s15 =	simm.s32 $0x13C80  }
0x81: {  	[tilespmem:s15], [sflag:$0x4] =	stream.indirect_vreg.gather [hbm4b:s9+s4], $0x80, v3, vm0, $0xb8;
	[tilespmem:$0x1C480] =	vst v63  }
0x82: {  	v3 =	vld [tilespmem:$0x50];
	_ =	sdelay $0x4  }
0x83: {  	v62 =	vshll.u32 v3, $0x3  }
0x84: {  	v3 =	vand.u32 $0x7, v3;
	v4 =	vand.u32 $0xFFFFFFC0, v62  }
0x85: {  	v3 =	vor.u32 v3, v4  }
0x86: {  	v4 =	vperm.xlane v3, v0;
	_ =	sdelay $0x1  }
0x87: {  	v4 =	vadd.s32 v1, v4;
	_ =	sdelay $0x3  }
0x88: {  	s16 =	simm.s32 $0x14480  }
0x89: {  	[tilespmem:s16], [sflag:$0x5] =	stream.indirect_vreg.gather [hbm4b:s2+s4], $0x80, v4, vm0, $0xb8;
	[tilespmem:$0x1C480] =	vst v63  }
0x8a: {  	s17 =	simm.s32 $0x14C80;
	v3 =	vperm.xlane v3, v2  }
0x8b: {  	[tilespmem:s17], [sflag:$0x5] =	stream.indirect_vreg.gather [hbm4b:s7+s4], $0x80, v4, vm0, $0xb8;
	[tilespmem:$0x1C480] =	vst v63  }
0x8c: {  	s18 =	simm.s32 $0x15480;
	v3 =	vadd.s32 v1, v3  }
0x8d: {  	[tilespmem:s18], [sflag:$0x5] =	stream.indirect_vreg.gather [hbm4b:s8+s4], $0x80, v4, vm0, $0xb8;
	[tilespmem:$0x1C480] =	vst v63  }
0x8e: {  	s19 =	simm.s32 $0x15C80  }
0x8f: {  	[tilespmem:s19], [sflag:$0x5] =	stream.indirect_vreg.gather [hbm4b:s9+s4], $0x80, v4, vm0, $0xb8;
	[tilespmem:$0x1C480] =	vst v63  }
0x90: {  	s23 =	simm.s32 $0x16480  }
0x91: {  	[tilespmem:s23], [sflag:$0x5] =	stream.indirect_vreg.gather [hbm4b:s2+s4], $0x80, v3, vm0, $0xb8;
	[tilespmem:$0x1C480] =	vst v63  }
0x92: {  	s15 =	simm.s32 $0x16C80  }
0x93: {  	[tilespmem:s15], [sflag:$0x5] =	stream.indirect_vreg.gather [hbm4b:s7+s4], $0x80, v3, vm0, $0xb8;
	[tilespmem:$0x1C480] =	vst v63  }
0x94: {  	s16 =	simm.s32 $0x17480  }
0x95: {  	[tilespmem:s16], [sflag:$0x5] =	stream.indirect_vreg.gather [hbm4b:s8+s4], $0x80, v3, vm0, $0xb8;
	[tilespmem:$0x1C480] =	vst v63  }
0x96: {  	s17 =	simm.s32 $0x17C80  }
0x97: {  	[tilespmem:s17], [sflag:$0x5] =	stream.indirect_vreg.gather [hbm4b:s9+s4], $0x80, v3, vm0, $0xb8;
	[tilespmem:$0x1C480] =	vst v63  }
0x98: {  	v3 =	vld [tilespmem:$0x60];
	_ =	sdelay $0x4  }
0x99: {  	v63 =	vshll.u32 v3, $0x3  }
0x9a: {  	v3 =	vand.u32 $0x7, v3;
	v4 =	vand.u32 $0xFFFFFFC0, v63  }
0x9b: {  	v3 =	vor.u32 v3, v4  }
0x9c: {  	v4 =	vperm.xlane v3, v0;
	_ =	sdelay $0x1  }
0x9d: {  	v4 =	vadd.s32 v1, v4;
	_ =	sdelay $0x3  }
0x9e: {  	s18 =	simm.s32 $0x18480  }
0x9f: {  	[tilespmem:s18], [sflag:$0x5] =	stream.indirect_vreg.gather [hbm4b:s2+s4], $0x80, v4, vm0, $0xb8;
	[tilespmem:$0x1C480] =	vst v63  }
0xa0: {  	s19 =	simm.s32 $0x18C80;
	v3 =	vperm.xlane v3, v2  }
0xa1: {  	[tilespmem:s19], [sflag:$0x5] =	stream.indirect_vreg.gather [hbm4b:s7+s4], $0x80, v4, vm0, $0xb8;
	[tilespmem:$0x1C480] =	vst v63  }
0xa2: {  	s23 =	simm.s32 $0x19480;
	v3 =	vadd.s32 v1, v3  }
0xa3: {  	[tilespmem:s23], [sflag:$0x5] =	stream.indirect_vreg.gather [hbm4b:s8+s4], $0x80, v4, vm0, $0xb8;
	[tilespmem:$0x1C480] =	vst v63  }
0xa4: {  	s15 =	simm.s32 $0x19C80  }
0xa5: {  	[tilespmem:s15], [sflag:$0x5] =	stream.indirect_vreg.gather [hbm4b:s9+s4], $0x80, v4, vm0, $0xb8;
	[tilespmem:$0x1C480] =	vst v63  }
0xa6: {  	s16 =	simm.s32 $0x1A480  }
0xa7: {  	[tilespmem:s16], [sflag:$0x5] =	stream.indirect_vreg.gather [hbm4b:s2+s4], $0x80, v3, vm0, $0xb8;
	[tilespmem:$0x1C480] =	vst v63  }
0xa8: {  	s17 =	simm.s32 $0x1AC80  }
0xa9: {  	[tilespmem:s17], [sflag:$0x5] =	stream.indirect_vreg.gather [hbm4b:s7+s4], $0x80, v3, vm0, $0xb8;
	[tilespmem:$0x1C480] =	vst v63  }
0xaa: {  	s18 =	simm.s32 $0x1B480  }
0xab: {  	[tilespmem:s18], [sflag:$0x5] =	stream.indirect_vreg.gather [hbm4b:s8+s4], $0x80, v3, vm0, $0xb8;
	[tilespmem:$0x1C480] =	vst v63  }
0xac: {  	s19 =	simm.s32 $0x1BC80  }
0xad: {  	[tilespmem:s19], [sflag:$0x5] =	stream.indirect_vreg.gather [hbm4b:s9+s4], $0x80, v3, vm0, $0xb8;
	[tilespmem:$0x1C480] =	vst v63  }
0xae: {  	s23 =	rddreg [dreg:$0x2]  }
0xaf: {  	[tilespmem:s28], [sflag:$0x9] =	stream.linear.gather [hbm4b:s23+s4], $0x400, $0x38;
	[tilespmem:$0x1C480] =	vst v63  }
0xb0: {  	_ =	swait.ge [sflag:s14], $0x400  }
0xb1: {  	[sflag:s14] =	ssyncset.done $0x0  }
0xb2: {  	[sflag:s14] =	ssyncadd.s32 $0xFFFFFC00  }
0xb3: {  	_ =	swait.ge [sflag:s29], $0x4000  }
0xb4: {  	s21 =	simm.s32 $0x2480;
	s22 =	simm.s32 $0x2C80;
	[sflag:s29] =	ssyncset.done $0x0  }
0xb5: {  	s6 =	simm.s32 $0x3480;
	s3 =	simm.s32 $0x0;
	[sflag:s29] =	ssyncadd.s32 $0xFFFFC000  }
.LBB2_2:
0xb6: {  	s15 =	sshll.u32 s3, $0x7  }
0xb7: {  	s16 =	sand.u32 $0x3FFFFF80, s15  }
0xb8: {  	v10 =	vld [tilespmem:s16+$0x80]  }
0xb9: {  	v5 =	vld [tilespmem:s16+$0x90]  }
0xba: {  	s17 =	sshll.u32 s3, $0xA;
	v6 =	vld [tilespmem:s16+$0xA0]  }
0xbb: {  	s15 =	sand.u32 $0x3FFFFC00, s17;
	s17 =	simm.s32 $0x0;
	v7 =	vld [tilespmem:s16+$0xB0]  }
0xbc: {  	s15 =	sadd.s32 $0x480, s15;
	s18 =	sand.u32 $0x2000, s17;
	v8 =	vld [tilespmem:s16+$0xC0]  }
0xbd: {  	s17 =	sand.u32 $0x380, s17;
	v9 =	vld [tilespmem:s16+$0xD0];
	s18 =	sadd.s32 s18, s15  }
0xbe: {  	v3 =	vld [tilespmem:s16+$0xE0];
	s23 =	sadd.s32 s17, s18  }
0xbf: {  	v11 =	vld [tilespmem:s23+$0x0]  }
0xc0: {  	v12 =	vld [tilespmem:s23+$0x10]  }
0xc1: {  	v4 =	vld [tilespmem:s16+$0xF0]  }
0xc2: {  	v13 =	vld [tilespmem:s23+$0x20]  }
0xc3: {  	v14 =	vld [tilespmem:s23+$0x30]  }
0xc4: {  	v16 =	vld [tilespmem:s23+$0x40];
	v11 =	vmul.f32 $3.200000000e+01, v11  }
0xc5: {  	s18 =	simm.s32 $0x400;
	v17 =	vld [tilespmem:s23+$0x50];
	v12 =	vmul.f32 $3.200000000e+01, v12  }
0xc6: {  	s17 =	simm.s32 $0x80;
	s16 =	sand.u32 $0x2000, s18;
	v18 =	vld [tilespmem:s23+$0x60];
	v11 =	vadd.f32 v11, v10  }
0xc7: {  	s19 =	sand.u32 $0x380, s17;
	v19 =	vld [tilespmem:s23+$0x70];
	s16 =	sadd.s32 s16, s15;
	v13 =	vmul.f32 $3.200000000e+01, v13;
	v12 =	vadd.f32 v12, v5  }
0xc8: {  	s16 =	sadd.s32 s19, s16;
	v14 =	vmul.f32 $3.200000000e+01, v14;
	[tilespmem:s23+$0x0] =	vst v11  }
0xc9: {  	v13 =	vadd.f32 v13, v6;
	v11 =	vld [tilespmem:s16+$0x0];
	[tilespmem:s23+$0x10] =	vst v12;
	v12 =	vmul.f32 $3.200000000e+01, v16  }
0xca: {  	v14 =	vadd.f32 v14, v7;
	v16 =	vmul.f32 $3.200000000e+01, v17  }
0xcb: {  	v18 =	vmul.f32 $3.200000000e+01, v18;
	v15 =	vld [tilespmem:s16+$0x10];
	[tilespmem:s23+$0x20] =	vst v13;
	v17 =	vadd.f32 v12, v8  }
0xcc: {  	v19 =	vmul.f32 $3.200000000e+01, v19;
	v13 =	vld [tilespmem:s16+$0x20];
	[tilespmem:s23+$0x30] =	vst v14;
	v20 =	vadd.f32 v16, v9  }
0xcd: {  	v16 =	vadd.f32 v18, v3;
	v12 =	vld [tilespmem:s16+$0x30];
	[tilespmem:s23+$0x40] =	vst v17  }
0xce: {  	s18 =	simm.s32 $0x800;
	v17 =	vadd.f32 v19, v4;
	v14 =	vld [tilespmem:s16+$0x40];
	[tilespmem:s23+$0x50] =	vst v20  }
.LBB2_3:
0xcf: {  	p0 =	sne.s32 s18, $0x3C00;
	v11 =	vmul.f32 $3.200000000e+01, v11;
	v18 =	vld [tilespmem:s16+$0x50];
	[tilespmem:s23+$0x60] =	vst v16  }
0xd0: {  	v15 =	vmul.f32 $3.200000000e+01, v15;
	v16 =	vld [tilespmem:s16+$0x60];
	[tilespmem:s23+$0x70] =	vst v17;
	s23 =	smov.u32 s16  }
0xd1: {  	s17 =	sadd.s32 $0x80, s17;
	s16 =	sand.u32 $0x2000, s18;
	v11 =	vadd.f32 v11, v10;
	v13 =	vmul.f32 $3.200000000e+01, v13;
	v17 =	vld [tilespmem:s23+$0x70]  }
0xd2: {  	s19 =	sand.u32 $0x380, s17;
	s16 =	sadd.s32 s16, s15;
	v15 =	vadd.f32 v15, v5;
	v12 =	vmul.f32 $3.200000000e+01, v12  }
0xd3: {  	s16 =	sadd.s32 s19, s16;
	[tilespmem:s23+$0x0] =	vst v11;
	v13 =	vadd.f32 v13, v6;
	v14 =	vmul.f32 $3.200000000e+01, v14  }
.Ltmp0:
0xd4: {  	v11 =	vld [tilespmem:s16+$0x0];
	[tilespmem:s23+$0x10] =	vst v15;
	v12 =	vadd.f32 v12, v7;
	v18 =	vmul.f32 $3.200000000e+01, v18;
	(pc) =	sbr.rel @p0 .LBB2_3-.Ltmp0, $4  }
0xd5: {  	v15 =	vld [tilespmem:s16+$0x10];
	[tilespmem:s23+$0x20] =	vst v13;
	v14 =	vadd.f32 v14, v8;
	v16 =	vmul.f32 $3.200000000e+01, v16  }
0xd6: {  	v13 =	vld [tilespmem:s16+$0x20];
	[tilespmem:s23+$0x30] =	vst v12;
	v18 =	vadd.f32 v18, v9;
	v17 =	vmul.f32 $3.200000000e+01, v17  }
0xd7: {  	v12 =	vld [tilespmem:s16+$0x30];
	[tilespmem:s23+$0x40] =	vst v14;
	v16 =	vadd.f32 v16, v3  }
0xd8: {  	s18 =	sadd.s32 $0x400, s18;
	v14 =	vld [tilespmem:s16+$0x40];
	[tilespmem:s23+$0x50] =	vst v18;
	v17 =	vadd.f32 v17, v4  }
0xd9: {  	v18 =	vld [tilespmem:s16+$0x50];
	[tilespmem:s23+$0x60] =	vst v16;
	v11 =	vmul.f32 $3.200000000e+01, v11  }
0xda: {  	v16 =	vld [tilespmem:s16+$0x60];
	v15 =	vmul.f32 $3.200000000e+01, v15;
	[tilespmem:s23+$0x70] =	vst v17  }
0xdb: {  	v10 =	vadd.f32 v11, v10;
	v55 =	vmul.f32 $3.200000000e+01, v13;
	v56 =	vld [tilespmem:s16+$0x70]  }
0xdc: {  	v5 =	vadd.f32 v15, v5;
	v12 =	vmul.f32 $3.200000000e+01, v12  }
0xdd: {  	[tilespmem:s16+$0x0] =	vst v10;
	v6 =	vadd.f32 v55, v6;
	v57 =	vmul.f32 $3.200000000e+01, v14  }
0xde: {  	s3 =	sadd.s32 $0x1, s3;
	[tilespmem:s16+$0x10] =	vst v5;
	v58 =	vadd.f32 v12, v7;
	v59 =	vmul.f32 $3.200000000e+01, v18  }
0xdf: {  	p0 =	sne.s32 s3, $0x8;
	[tilespmem:s16+$0x20] =	vst v6;
	v60 =	vadd.f32 v57, v8;
	v61 =	vmul.f32 $3.200000000e+01, v16  }
.Ltmp1:
0xe0: {  	[tilespmem:s16+$0x30] =	vst v58;
	v62 =	vadd.f32 v59, v9;
	v63 =	vmul.f32 $3.200000000e+01, v56;
	(pc) =	sbr.rel @p0 .LBB2_2-.Ltmp1, $4  }
0xe1: {  	[tilespmem:s16+$0x40] =	vst v60;
	v3 =	vadd.f32 v61, v3  }
0xe2: {  	[tilespmem:s16+$0x50] =	vst v62;
	v4 =	vadd.f32 v63, v4  }
0xe3: {  	[tilespmem:s16+$0x60] =	vst v3  }
0xe4: {  	[tilespmem:s16+$0x70] =	vst v4  }
0xe5: {  	[hbm4b:s10+s28] =	stream.strided.scatter [tilespmem:s20], [sflag:$0x2], $0x400, s30, s28, $0x38;
	[tilespmem:$0x1C480] =	vst v63  }
0xe6: {  	s3 =	sadd.s32 $0x10, s10;
	s15 =	simm.s32 $0x880  }
0xe7: {  	[hbm4b:s3+s28] =	stream.strided.scatter [tilespmem:s15], [sflag:$0x2], $0x400, s30, s28, $0x38;
	[tilespmem:$0x1C480] =	vst v63  }
0xe8: {  	s16 =	sadd.s32 $0x20, s10  }
0xe9: {  	[hbm4b:s16+s28] =	stream.strided.scatter [tilespmem:s24], [sflag:$0x2], $0x400, s30, s28, $0x38;
	[tilespmem:$0x1C480] =	vst v63  }
0xea: {  	s17 =	sadd.s32 $0x30, s10;
	s18 =	simm.s32 $0x1080  }
0xeb: {  	[hbm4b:s17+s28] =	stream.strided.scatter [tilespmem:s18], [sflag:$0x2], $0x400, s30, s28, $0x38;
	[tilespmem:$0x1C480] =	vst v63  }
0xec: {  	s19 =	sadd.s32 $0x40, s10  }
0xed: {  	[hbm4b:s19+s28] =	stream.strided.scatter [tilespmem:s25], [sflag:$0x2], $0x400, s30, s28, $0x38;
	[tilespmem:$0x1C480] =	vst v63  }
0xee: {  	s20 =	sadd.s32 $0x50, s10;
	s23 =	simm.s32 $0x1880  }
0xef: {  	[hbm4b:s20+s28] =	stream.strided.scatter [tilespmem:s23], [sflag:$0x2], $0x400, s30, s28, $0x38;
	[tilespmem:$0x1C480] =	vst v63  }
0xf0: {  	s24 =	sadd.s32 $0x60, s10  }
0xf1: {  	[hbm4b:s24+s28] =	stream.strided.scatter [tilespmem:s26], [sflag:$0x2], $0x400, s30, s28, $0x38;
	[tilespmem:$0x1C480] =	vst v63  }
0xf2: {  	s25 =	sadd.s32 $0x70, s10;
	s26 =	simm.s32 $0x2080  }
0xf3: {  	[hbm4b:s25+s28] =	stream.strided.scatter [tilespmem:s26], [sflag:$0x2], $0x400, s30, s28, $0x38;
	[tilespmem:$0x1C480] =	vst v63  }
0xf4: {  	s15 =	sadd.s32 $0x400, s10  }
0xf5: {  	[hbm4b:s15+s28] =	stream.strided.scatter [tilespmem:s21], [sflag:$0x2], $0x400, s30, s28, $0x38;
	[tilespmem:$0x1C480] =	vst v63  }
0xf6: {  	s16 =	sadd.s32 $0x410, s10;
	s21 =	simm.s32 $0x2880  }
0xf7: {  	[hbm4b:s16+s28] =	stream.strided.scatter [tilespmem:s21], [sflag:$0x2], $0x400, s30, s28, $0x38;
	[tilespmem:$0x1C480] =	vst v63  }
0xf8: {  	s17 =	sadd.s32 $0x420, s10  }
0xf9: {  	[hbm4b:s17+s28] =	stream.strided.scatter [tilespmem:s22], [sflag:$0x2], $0x400, s30, s28, $0x38;
	[tilespmem:$0x1C480] =	vst v63  }
0xfa: {  	s18 =	sadd.s32 $0x430, s10;
	s22 =	simm.s32 $0x3080  }
0xfb: {  	[hbm4b:s18+s28] =	stream.strided.scatter [tilespmem:s22], [sflag:$0x2], $0x400, s30, s28, $0x38;
	[tilespmem:$0x1C480] =	vst v63  }
0xfc: {  	s19 =	sadd.s32 $0x440, s10  }
0xfd: {  	[hbm4b:s19+s28] =	stream.strided.scatter [tilespmem:s6], [sflag:$0x2], $0x400, s30, s28, $0x38;
	[tilespmem:$0x1C480] =	vst v63  }
0xfe: {  	s3 =	simm.s32 $0x0;
	s20 =	sadd.s32 $0x450, s10;
	s23 =	simm.s32 $0x3880  }
0xff: {  	[hbm4b:s20+s28] =	stream.strided.scatter [tilespmem:s23], [sflag:$0x2], $0x400, s30, s28, $0x38;
	[tilespmem:$0x1C480] =	vst v63  }
0x100: {  	s24 =	sadd.s32 $0x460, s10;
	s25 =	sadd.s32 $0x470, s10;
	s6 =	simm.s32 $0x3C80  }
0x101: {  	[hbm4b:s24+s28] =	stream.strided.scatter [tilespmem:s6], [sflag:$0x2], $0x400, s30, s28, $0x38;
	[tilespmem:$0x1C480] =	vst v63  }
0x102: {  	s26 =	simm.s32 $0x4080;
	s23 =	simm.s32 $0x4480;
	s24 =	simm.s32 $0x0  }
0x103: {  	[hbm4b:s25+s28] =	stream.strided.scatter [tilespmem:s26], [sflag:$0x2], $0x400, s30, s28, $0x38;
	[tilespmem:$0x1C480] =	vst v63  }
.LBB2_6:
0x104: {  	s15 =	sadd.s32 $0x3, s24  }
0x105: {  	_ =	swait.ge [sflag:s15], $0x8000  }
0x106: {  	[sflag:s15] =	ssyncset.done $0x0  }
0x107: {  	s25 =	sshll.u32 s24, $0x5;
	s26 =	simm.s32 $0x0;
	[sflag:s15] =	ssyncadd.s32 $0xFFFF8000  }
.LBB2_7:
0x108: {  	s15 =	sshll.u32 s26, $0x7  }
0x109: {  	s17 =	sand.u32 $0x3FFFFF80, s15  }
0x10a: {  	v10 =	vld [tilespmem:s17+$0x80]  }
0x10b: {  	v6 =	vld [tilespmem:s17+$0x90]  }
0x10c: {  	s19 =	sshll.u32 s26, $0xA;
	v3 =	vld [tilespmem:s17+$0xA0]  }
0x10d: {  	s15 =	sand.u32 $0x3FFFFC00, s19;
	v7 =	vld [tilespmem:s17+$0xB0]  }
0x10e: {  	s16 =	simm.s32 $0x0;
	s18 =	sand.u32 $0x1E000, s3;
	s15 =	sadd.s32 $0x4480, s15;
	v8 =	vld [tilespmem:s17+$0xC0]  }
0x10f: {  	s16 =	sand.u32 $0x380, s16;
	v9 =	vld [tilespmem:s17+$0xD0];
	s18 =	sadd.s32 s18, s15  }
0x110: {  	v4 =	vld [tilespmem:s17+$0xE0];
	s16 =	sadd.s32 s16, s18  }
0x111: {  	v11 =	vld [tilespmem:s16+$0x0]  }
0x112: {  	v12 =	vld [tilespmem:s16+$0x10]  }
0x113: {  	v13 =	vld [tilespmem:s16+$0x20]  }
0x114: {  	v14 =	vld [tilespmem:s16+$0x30]  }
0x115: {  	v16 =	vld [tilespmem:s16+$0x40]  }
0x116: {  	v17 =	vld [tilespmem:s16+$0x50];
	v11 =	vmul.f32 $3.200000000e+01, v11  }
0x117: {  	s18 =	sadd.s32 $0x400, s3;
	v18 =	vld [tilespmem:s16+$0x60];
	v12 =	vmul.f32 $3.200000000e+01, v12  }
0x118: {  	s20 =	simm.s32 $0x80;
	s19 =	sand.u32 $0x1E000, s18;
	v19 =	vld [tilespmem:s16+$0x70];
	v13 =	vmul.f32 $3.200000000e+01, v13;
	v11 =	vadd.f32 v11, v10  }
0x119: {  	v5 =	vld [tilespmem:s17+$0xF0];
	s17 =	sand.u32 $0x380, s20;
	s19 =	sadd.s32 s19, s15;
	v14 =	vmul.f32 $3.200000000e+01, v14;
	v12 =	vadd.f32 v12, v6  }
0x11a: {  	s17 =	sadd.s32 s17, s19;
	v16 =	vmul.f32 $3.200000000e+01, v16;
	v13 =	vadd.f32 v13, v3;
	[tilespmem:s16+$0x0] =	vst v11  }
0x11b: {  	v17 =	vmul.f32 $3.200000000e+01, v17;
	v14 =	vadd.f32 v14, v7;
	v11 =	vld [tilespmem:s17+$0x0];
	[tilespmem:s16+$0x10] =	vst v12  }
0x11c: {  	v18 =	vmul.f32 $3.200000000e+01, v18;
	v16 =	vadd.f32 v16, v8;
	v15 =	vld [tilespmem:s17+$0x10];
	[tilespmem:s16+$0x20] =	vst v13  }
0x11d: {  	v19 =	vmul.f32 $3.200000000e+01, v19;
	v20 =	vadd.f32 v17, v9;
	v12 =	vld [tilespmem:s17+$0x20];
	[tilespmem:s16+$0x30] =	vst v14  }
0x11e: {  	v17 =	vadd.f32 v18, v4;
	v13 =	vld [tilespmem:s17+$0x30];
	[tilespmem:s16+$0x40] =	vst v16  }
0x11f: {  	s19 =	simm.s32 $0x100;
	v16 =	vadd.f32 v19, v5;
	v14 =	vld [tilespmem:s17+$0x40];
	[tilespmem:s16+$0x50] =	vst v20  }
.LBB2_8:
0x120: {  	p0 =	sne.s32 s19, $0xF80;
	v11 =	vmul.f32 $3.200000000e+01, v11;
	v18 =	vld [tilespmem:s17+$0x50];
	[tilespmem:s16+$0x60] =	vst v17  }
0x121: {  	s18 =	sadd.s32 $0x400, s18;
	v15 =	vmul.f32 $3.200000000e+01, v15;
	v17 =	vld [tilespmem:s17+$0x60];
	[tilespmem:s16+$0x70] =	vst v16;
	s16 =	smov.u32 s17  }
0x122: {  	s17 =	sand.u32 $0x1E000, s18;
	v11 =	vadd.f32 v11, v10;
	v12 =	vmul.f32 $3.200000000e+01, v12;
	v16 =	vld [tilespmem:s16+$0x70]  }
0x123: {  	s20 =	sand.u32 $0x380, s19;
	s17 =	sadd.s32 s17, s15;
	v15 =	vadd.f32 v15, v6;
	v13 =	vmul.f32 $3.200000000e+01, v13  }
0x124: {  	s17 =	sadd.s32 s20, s17;
	[tilespmem:s16+$0x0] =	vst v11;
	v12 =	vadd.f32 v12, v3;
	v14 =	vmul.f32 $3.200000000e+01, v14  }
.Ltmp2:
0x125: {  	v11 =	vld [tilespmem:s17+$0x0];
	[tilespmem:s16+$0x10] =	vst v15;
	v13 =	vadd.f32 v13, v7;
	v18 =	vmul.f32 $3.200000000e+01, v18;
	(pc) =	sbr.rel @p0 .LBB2_8-.Ltmp2, $4  }
0x126: {  	v15 =	vld [tilespmem:s17+$0x10];
	[tilespmem:s16+$0x20] =	vst v12;
	v14 =	vadd.f32 v14, v8;
	v17 =	vmul.f32 $3.200000000e+01, v17  }
0x127: {  	v12 =	vld [tilespmem:s17+$0x20];
	[tilespmem:s16+$0x30] =	vst v13;
	v18 =	vadd.f32 v18, v9;
	v16 =	vmul.f32 $3.200000000e+01, v16  }
0x128: {  	v13 =	vld [tilespmem:s17+$0x30];
	[tilespmem:s16+$0x40] =	vst v14;
	v17 =	vadd.f32 v17, v4  }
0x129: {  	s19 =	sadd.s32 $0x80, s19;
	v14 =	vld [tilespmem:s17+$0x40];
	[tilespmem:s16+$0x50] =	vst v18;
	v16 =	vadd.f32 v16, v5  }
0x12a: {  	v18 =	vld [tilespmem:s17+$0x50];
	[tilespmem:s16+$0x60] =	vst v17;
	v11 =	vmul.f32 $3.200000000e+01, v11  }
0x12b: {  	v17 =	vld [tilespmem:s17+$0x60];
	v15 =	vmul.f32 $3.200000000e+01, v15;
	[tilespmem:s16+$0x70] =	vst v16  }
0x12c: {  	v10 =	vadd.f32 v11, v10;
	v55 =	vmul.f32 $3.200000000e+01, v12;
	v56 =	vld [tilespmem:s17+$0x70]  }
0x12d: {  	v6 =	vadd.f32 v15, v6;
	v13 =	vmul.f32 $3.200000000e+01, v13  }
0x12e: {  	[tilespmem:s17+$0x0] =	vst v10;
	v3 =	vadd.f32 v55, v3;
	v57 =	vmul.f32 $3.200000000e+01, v14  }
0x12f: {  	s26 =	sadd.s32 $0x1, s26;
	[tilespmem:s17+$0x10] =	vst v6;
	v58 =	vadd.f32 v13, v7;
	v59 =	vmul.f32 $3.200000000e+01, v18  }
0x130: {  	p0 =	sne.s32 s26, $0x8;
	[tilespmem:s17+$0x20] =	vst v3;
	v3 =	vadd.f32 v57, v8;
	v60 =	vmul.f32 $3.200000000e+01, v17  }
.Ltmp3:
0x131: {  	[tilespmem:s17+$0x30] =	vst v58;
	v61 =	vadd.f32 v59, v9;
	v62 =	vmul.f32 $3.200000000e+01, v56;
	(pc) =	sbr.rel @p0 .LBB2_7-.Ltmp3, $4  }
0x132: {  	[tilespmem:s17+$0x40] =	vst v3;
	v3 =	vadd.f32 v60, v4  }
0x133: {  	[tilespmem:s17+$0x50] =	vst v61;
	v63 =	vadd.f32 v62, v5  }
0x134: {  	[tilespmem:s17+$0x60] =	vst v3  }
0x135: {  	[tilespmem:s17+$0x70] =	vst v63  }
0x136: {  	s15 =	sadd.s32 s5, s25  }
0x137: {  	s16 =	sshll.u32 s15, $0x7  }
0x138: {  	s19 =	sadd.s32 $0x0, s23;
	s15 =	sadd.s32 $0x6, s24;
	s16 =	sadd.s32 s16, s11  }
0x139: {  	[hbm4b:s16+s28] =	stream.strided.scatter [tilespmem:s19], [sflag:s15], $0x400, s30, s28, $0x38;
	[tilespmem:$0x1C480] =	vst v63  }
0x13a: {  	s17 =	sadd.s32 $0x400, s19;
	s18 =	sadd.s32 $0x10, s16  }
0x13b: {  	[hbm4b:s18+s28] =	stream.strided.scatter [tilespmem:s17], [sflag:s15], $0x400, s30, s28, $0x38;
	[tilespmem:$0x1C480] =	vst v63  }
0x13c: {  	s25 =	sadd.s32 $0x800, s19;
	s26 =	sadd.s32 $0x20, s16  }
0x13d: {  	[hbm4b:s26+s28] =	stream.strided.scatter [tilespmem:s25], [sflag:s15], $0x400, s30, s28, $0x38;
	[tilespmem:$0x1C480] =	vst v63  }
0x13e: {  	s20 =	sadd.s32 $0x30, s16;
	s18 =	sadd.s32 $0xC00, s19  }
0x13f: {  	[hbm4b:s20+s28] =	stream.strided.scatter [tilespmem:s18], [sflag:s15], $0x400, s30, s28, $0x38;
	[tilespmem:$0x1C480] =	vst v63  }
0x140: {  	s25 =	sadd.s32 $0x1000, s19;
	s26 =	sadd.s32 $0x40, s16  }
0x141: {  	[hbm4b:s26+s28] =	stream.strided.scatter [tilespmem:s25], [sflag:s15], $0x400, s30, s28, $0x38;
	[tilespmem:$0x1C480] =	vst v63  }
0x142: {  	s17 =	simm.s32 $0x2000;
	s18 =	sadd.s32 $0x1400, s19;
	s20 =	sadd.s32 $0x50, s16  }
0x143: {  	[hbm4b:s20+s28] =	stream.strided.scatter [tilespmem:s18], [sflag:s15], $0x400, s30, s28, $0x38;
	[tilespmem:$0x1C480] =	vst v63  }
0x144: {  	s25 =	sadd.s32 $0x1800, s19;
	s26 =	sadd.s32 $0x60, s16;
	s19 =	sadd.s32 $0x1C00, s19  }
0x145: {  	[hbm4b:s26+s28] =	stream.strided.scatter [tilespmem:s25], [sflag:s15], $0x400, s30, s28, $0x38;
	[tilespmem:$0x1C480] =	vst v63  }
0x146: {  	s18 =	simm.s32 $0x10000;
	s25 =	sadd.s32 $0x70, s16;
	s16 =	sadd.s32 $0x400, s16  }
.LBB2_11:
0x147: {  	[hbm4b:s25+s28] =	stream.strided.scatter [tilespmem:s19], [sflag:s15], $0x400, s30, s28, $0x38;
	[tilespmem:$0x1C480] =	vst v63  }
0x148: {  	s19 =	smov.u32 s18  }
0x149: {  	s20 =	sadd.s32 $0x8000, s18;
	s25 =	sadd.s32 s17, s23;
	s17 =	sshra.s32 s19, $0x2  }
0x14a: {  	[hbm4b:s16+s28] =	stream.strided.scatter [tilespmem:s25], [sflag:s15], $0x400, s30, s28, $0x38;
	[tilespmem:$0x1C480] =	vst v63  }
0x14b: {  	p0 =	sne.s32 s18, $0x18000;
	s18 =	sadd.s32 $0x400, s25;
	s19 =	sadd.s32 $0x10, s16  }
0x14c: {  	[hbm4b:s19+s28] =	stream.strided.scatter [tilespmem:s18], [sflag:s15], $0x400, s30, s28, $0x38;
	[tilespmem:$0x1C480] =	vst v63  }
0x14d: {  	s18 =	sadd.s32 $0x800, s25;
	s19 =	sadd.s32 $0x20, s16  }
0x14e: {  	[hbm4b:s19+s28] =	stream.strided.scatter [tilespmem:s18], [sflag:s15], $0x400, s30, s28, $0x38;
	[tilespmem:$0x1C480] =	vst v63  }
0x14f: {  	s18 =	sadd.s32 $0xC00, s25;
	s19 =	sadd.s32 $0x30, s16  }
0x150: {  	[hbm4b:s19+s28] =	stream.strided.scatter [tilespmem:s18], [sflag:s15], $0x400, s30, s28, $0x38;
	[tilespmem:$0x1C480] =	vst v63  }
0x151: {  	s18 =	sadd.s32 $0x1000, s25;
	s19 =	sadd.s32 $0x40, s16  }
0x152: {  	[hbm4b:s19+s28] =	stream.strided.scatter [tilespmem:s18], [sflag:s15], $0x400, s30, s28, $0x38;
	[tilespmem:$0x1C480] =	vst v63  }
0x153: {  	s18 =	sadd.s32 $0x1400, s25;
	s19 =	sadd.s32 $0x50, s16  }
0x154: {  	[hbm4b:s19+s28] =	stream.strided.scatter [tilespmem:s18], [sflag:s15], $0x400, s30, s28, $0x38;
	[tilespmem:$0x1C480] =	vst v63  }
.Ltmp4:
0x155: {  	_ = 	snop;
	(pc) =	sbr.rel @p0 .LBB2_11-.Ltmp4, $4  }
0x156: {  	s18 =	sadd.s32 $0x1800, s25;
	s19 =	sadd.s32 $0x60, s16  }
0x157: {  	[hbm4b:s19+s28] =	stream.strided.scatter [tilespmem:s18], [sflag:s15], $0x400, s30, s28, $0x38;
	[tilespmem:$0x1C480] =	vst v63  }
0x158: {  	s19 =	sadd.s32 $0x1C00, s25  }
0x159: {  	s25 =	sadd.s32 $0x70, s16;
	s16 =	sadd.s32 $0x400, s16;
	s18 =	smov.u32 s20  }
0x15a: {  	[hbm4b:s25+s28] =	stream.strided.scatter [tilespmem:s19], [sflag:s15], $0x400, s30, s28, $0x38;
	[tilespmem:$0x1C480] =	vst v63  }
0x15b: {  	s17 =	sadd.s32 s17, s23  }
0x15c: {  	[hbm4b:s16+s28] =	stream.strided.scatter [tilespmem:s17], [sflag:s15], $0x400, s30, s28, $0x38;
	[tilespmem:$0x1C480] =	vst v63  }
0x15d: {  	s26 =	sadd.s32 $0x10, s16;
	s18 =	sadd.s32 $0x400, s17  }
0x15e: {  	[hbm4b:s26+s28] =	stream.strided.scatter [tilespmem:s18], [sflag:s15], $0x400, s30, s28, $0x38;
	[tilespmem:$0x1C480] =	vst v63  }
0x15f: {  	s20 =	sadd.s32 $0x20, s16;
	s19 =	sadd.s32 $0x800, s17  }
0x160: {  	[hbm4b:s20+s28] =	stream.strided.scatter [tilespmem:s19], [sflag:s15], $0x400, s30, s28, $0x38;
	[tilespmem:$0x1C480] =	vst v63  }
0x161: {  	s25 =	sadd.s32 $0xC00, s17;
	s26 =	sadd.s32 $0x30, s16  }
0x162: {  	[hbm4b:s26+s28] =	stream.strided.scatter [tilespmem:s25], [sflag:s15], $0x400, s30, s28, $0x38;
	[tilespmem:$0x1C480] =	vst v63  }
0x163: {  	s19 =	sadd.s32 $0x1000, s17;
	s20 =	sadd.s32 $0x40, s16  }
0x164: {  	[hbm4b:s20+s28] =	stream.strided.scatter [tilespmem:s19], [sflag:s15], $0x400, s30, s28, $0x38;
	[tilespmem:$0x1C480] =	vst v63  }
0x165: {  	s25 =	sadd.s32 $0x1400, s17;
	s26 =	sadd.s32 $0x50, s16  }
0x166: {  	[hbm4b:s26+s28] =	stream.strided.scatter [tilespmem:s25], [sflag:s15], $0x400, s30, s28, $0x38;
	[tilespmem:$0x1C480] =	vst v63  }
0x167: {  	s20 =	sadd.s32 $0x1800, s17;
	s25 =	sadd.s32 $0x60, s16  }
0x168: {  	[hbm4b:s25+s28] =	stream.strided.scatter [tilespmem:s20], [sflag:s15], $0x400, s30, s28, $0x38;
	[tilespmem:$0x1C480] =	vst v63  }
0x169: {  	p0 =	sne.s32 s24, $0x0;
	s17 =	sadd.s32 $0x1C00, s17;
	s26 =	sadd.s32 $0x70, s16  }
0x16a: {  	[hbm4b:s26+s28] =	stream.strided.scatter [tilespmem:s17], [sflag:s15], $0x400, s30, s28, $0x38;
	[tilespmem:$0x1C480] =	vst v63  }
0x16b: {  	s15 =	simm.s32 @!p0 $0x2  }
0x16c: {  	_ =	swait.ge @!p0 [sflag:s15], $0x4000  }
0x16d: {  	[sflag:s15] =	ssyncset.done @!p0 $0x0  }
0x16e: {  	[sflag:s15] =	ssyncadd.s32 @!p0 $0xFFFFC000  }
0x16f: {  	v3 =	vld @!p0 [tilespmem:$0x70];
	_ =	sdelay $0x4  }
0x170: {  	v4 =	vshll.u32 @!p0 v3, $0x3  }
0x171: {  	v5 =	vlaneseq.u32 @!p0;
	v3 =	vand.u32 @!p0 $0x7, v3;
	v4 =	vand.u32 @!p0 $0xFFFFFFC0, v4  }
0x172: {  	v6 =	vshrl.u32 @!p0 v5, $0x3;
	v3 =	vor.u32 @!p0 v3, v4;
	v4 =	vand.u32 @!p0 $0x7, v5  }
0x173: {  	v6 =	vmul.u32 @!p0 $0x8, v6;
	v4 =	vperm.xlane @!p0 v3, v4;
	_ =	sdelay $0x1  }
0x174: {  	v4 =	vadd.s32 @!p0 v6, v4;
	_ =	sdelay $0x3  }
0x175: {  	vm1 =	vmmov @!p0 $0xffff;
	s16 =	simm.s32 @!p0 $0x480;
	s15 =	simm.s32 @!p0 $0x0  }
0x176: {  	v5 =	vor.u32 @!p0 $0x8, v5;
	[tilespmem:s16], [sflag:$0x1] =	stream.indirect_vreg.gather @!p0 [hbm4b:s2+s15], $0x80, v4, vm1, $0xb8;
	[tilespmem:$0x1C480] =	vst v63  }
0x177: {  	v3 =	vperm.xlane @!p0 v3, v5;
	s16 =	simm.s32 @!p0 $0xC80  }
0x178: {  	[tilespmem:s16], [sflag:$0x1] =	stream.indirect_vreg.gather @!p0 [hbm4b:s7+s15], $0x80, v4, vm1, $0xb8;
	[tilespmem:$0x1C480] =	vst v63  }
0x179: {  	v3 =	vadd.s32 @!p0 v6, v3;
	s16 =	simm.s32 @!p0 $0x1480  }
0x17a: {  	[tilespmem:s16], [sflag:$0x1] =	stream.indirect_vreg.gather @!p0 [hbm4b:s8+s15], $0x80, v4, vm1, $0xb8;
	[tilespmem:$0x1C480] =	vst v63  }
0x17b: {  	s16 =	simm.s32 @!p0 $0x1C80  }
0x17c: {  	[tilespmem:s16], [sflag:$0x1] =	stream.indirect_vreg.gather @!p0 [hbm4b:s9+s15], $0x80, v4, vm1, $0xb8;
	[tilespmem:$0x1C480] =	vst v63  }
0x17d: {  	s16 =	simm.s32 @!p0 $0x2480  }
0x17e: {  	[tilespmem:s16], [sflag:$0x1] =	stream.indirect_vreg.gather @!p0 [hbm4b:s2+s15], $0x80, v3, vm1, $0xb8;
	[tilespmem:$0x1C480] =	vst v63  }
0x17f: {  	s16 =	simm.s32 @!p0 $0x2C80  }
0x180: {  	[tilespmem:s16], [sflag:$0x1] =	stream.indirect_vreg.gather @!p0 [hbm4b:s7+s15], $0x80, v3, vm1, $0xb8;
	[tilespmem:$0x1C480] =	vst v63  }
0x181: {  	s16 =	simm.s32 @!p0 $0x3480  }
0x182: {  	[tilespmem:s16], [sflag:$0x1] =	stream.indirect_vreg.gather @!p0 [hbm4b:s8+s15], $0x80, v3, vm1, $0xb8;
	[tilespmem:$0x1C480] =	vst v63  }
0x183: {  	s24 =	sadd.s32 $0x1, s24;
	s16 =	simm.s32 @!p0 $0x3C80  }
0x184: {  	[tilespmem:s16], [sflag:$0x1] =	stream.indirect_vreg.gather @!p0 [hbm4b:s9+s15], $0x80, v3, vm1, $0xb8;
	[tilespmem:$0x1C480] =	vst v63  }
0x185: {  	p0 =	sne.s32 s24, $0x3  }
.Ltmp5:
0x186: {  	_ = 	snop;
	(pc) =	sbr.rel @p0 .LBB2_6-.Ltmp5, $2  }
0x187: {  	_ =	sdelay $0x2  }
0x188: {  	s3 =	sadd.s32 $0x8000, s3;
	s23 =	sadd.s32 $0x8000, s23  }
0x189: {  	_ =	swait.ge [sflag:s29], $0x4000;
	s3 =	simm.s32 $0x0  }
0x18a: {  	s23 =	simm.s32 $0x0;
	s24 =	simm.s32 $0xC80;
	[sflag:s29] =	ssyncset.done $0x0  }
0x18b: {  	s25 =	simm.s32 $0x1480;
	s26 =	simm.s32 $0x1C80;
	[sflag:s29] =	ssyncadd.s32 $0xFFFFC000  }
.LBB2_14:
0x18c: {  	s15 =	sshll.u32 s23, $0x7  }
0x18d: {  	s17 =	sand.u32 $0x3FFFFF80, s15  }
0x18e: {  	v10 =	vld [tilespmem:s17+$0x80]  }
0x18f: {  	v9 =	vld [tilespmem:s17+$0x90]  }
0x190: {  	s19 =	sshll.u32 s23, $0xA;
	v5 =	vld [tilespmem:s17+$0xA0]  }
0x191: {  	s15 =	sand.u32 $0x3FFFFC00, s19;
	v6 =	vld [tilespmem:s17+$0xB0]  }
0x192: {  	s16 =	sand.u32 $0x2000, s3;
	s15 =	sadd.s32 $0x480, s15;
	v7 =	vld [tilespmem:s17+$0xC0]  }
0x193: {  	s18 =	sand.u32 $0x380, s3;
	v8 =	vld [tilespmem:s17+$0xD0];
	s16 =	sadd.s32 s16, s15  }
0x194: {  	v3 =	vld [tilespmem:s17+$0xE0];
	s16 =	sadd.s32 s18, s16  }
0x195: {  	v11 =	vld [tilespmem:s16+$0x0]  }
0x196: {  	v12 =	vld [tilespmem:s16+$0x10]  }
0x197: {  	v4 =	vld [tilespmem:s17+$0xF0]  }
0x198: {  	v13 =	vld [tilespmem:s16+$0x20]  }
0x199: {  	v14 =	vld [tilespmem:s16+$0x30]  }
0x19a: {  	v16 =	vld [tilespmem:s16+$0x40];
	v11 =	vmul.f32 $3.200000000e+01, v11  }
0x19b: {  	s20 =	simm.s32 $0x400;
	v17 =	vld [tilespmem:s16+$0x50];
	v12 =	vmul.f32 $3.200000000e+01, v12  }
0x19c: {  	s17 =	sand.u32 $0x2000, s20;
	s18 =	simm.s32 $0x80;
	v18 =	vld [tilespmem:s16+$0x60];
	v11 =	vadd.f32 v11, v10  }
0x19d: {  	s17 =	sadd.s32 s17, s15;
	s19 =	sand.u32 $0x380, s18;
	v19 =	vld [tilespmem:s16+$0x70];
	v13 =	vmul.f32 $3.200000000e+01, v13;
	v12 =	vadd.f32 v12, v9  }
0x19e: {  	s17 =	sadd.s32 s19, s17;
	v14 =	vmul.f32 $3.200000000e+01, v14;
	[tilespmem:s16+$0x0] =	vst v11  }
0x19f: {  	v13 =	vadd.f32 v13, v5;
	v11 =	vld [tilespmem:s17+$0x0];
	[tilespmem:s16+$0x10] =	vst v12;
	v12 =	vmul.f32 $3.200000000e+01, v16  }
0x1a0: {  	v14 =	vadd.f32 v14, v6;
	v16 =	vmul.f32 $3.200000000e+01, v17  }
0x1a1: {  	v18 =	vmul.f32 $3.200000000e+01, v18;
	v15 =	vld [tilespmem:s17+$0x10];
	[tilespmem:s16+$0x20] =	vst v13;
	v17 =	vadd.f32 v12, v7  }
0x1a2: {  	v19 =	vmul.f32 $3.200000000e+01, v19;
	v13 =	vld [tilespmem:s17+$0x20];
	[tilespmem:s16+$0x30] =	vst v14;
	v20 =	vadd.f32 v16, v8  }
0x1a3: {  	v16 =	vadd.f32 v18, v3;
	v12 =	vld [tilespmem:s17+$0x30];
	[tilespmem:s16+$0x40] =	vst v17  }
0x1a4: {  	s19 =	simm.s32 $0x800;
	v17 =	vadd.f32 v19, v4;
	v14 =	vld [tilespmem:s17+$0x40];
	[tilespmem:s16+$0x50] =	vst v20  }
.LBB2_15:
0x1a5: {  	p0 =	sne.s32 s19, $0x3C00;
	v11 =	vmul.f32 $3.200000000e+01, v11;
	v18 =	vld [tilespmem:s17+$0x50];
	[tilespmem:s16+$0x60] =	vst v16  }
0x1a6: {  	v15 =	vmul.f32 $3.200000000e+01, v15;
	v16 =	vld [tilespmem:s17+$0x60];
	[tilespmem:s16+$0x70] =	vst v17;
	s16 =	smov.u32 s17  }
0x1a7: {  	s18 =	sadd.s32 $0x80, s18;
	s17 =	sand.u32 $0x2000, s19;
	v11 =	vadd.f32 v11, v10;
	v13 =	vmul.f32 $3.200000000e+01, v13;
	v17 =	vld [tilespmem:s16+$0x70]  }
0x1a8: {  	s20 =	sand.u32 $0x380, s18;
	s17 =	sadd.s32 s17, s15;
	v15 =	vadd.f32 v15, v9;
	v12 =	vmul.f32 $3.200000000e+01, v12  }
0x1a9: {  	s17 =	sadd.s32 s20, s17;
	[tilespmem:s16+$0x0] =	vst v11;
	v13 =	vadd.f32 v13, v5;
	v14 =	vmul.f32 $3.200000000e+01, v14  }
.Ltmp6:
0x1aa: {  	v11 =	vld [tilespmem:s17+$0x0];
	[tilespmem:s16+$0x10] =	vst v15;
	v12 =	vadd.f32 v12, v6;
	v18 =	vmul.f32 $3.200000000e+01, v18;
	(pc) =	sbr.rel @p0 .LBB2_15-.Ltmp6, $4  }
0x1ab: {  	v15 =	vld [tilespmem:s17+$0x10];
	[tilespmem:s16+$0x20] =	vst v13;
	v14 =	vadd.f32 v14, v7;
	v16 =	vmul.f32 $3.200000000e+01, v16  }
0x1ac: {  	v13 =	vld [tilespmem:s17+$0x20];
	[tilespmem:s16+$0x30] =	vst v12;
	v18 =	vadd.f32 v18, v8;
	v17 =	vmul.f32 $3.200000000e+01, v17  }
0x1ad: {  	v12 =	vld [tilespmem:s17+$0x30];
	[tilespmem:s16+$0x40] =	vst v14;
	v16 =	vadd.f32 v16, v3  }
0x1ae: {  	s19 =	sadd.s32 $0x400, s19;
	v14 =	vld [tilespmem:s17+$0x40];
	[tilespmem:s16+$0x50] =	vst v18;
	v17 =	vadd.f32 v17, v4  }
0x1af: {  	v18 =	vld [tilespmem:s17+$0x50];
	[tilespmem:s16+$0x60] =	vst v16;
	v11 =	vmul.f32 $3.200000000e+01, v11  }
0x1b0: {  	v16 =	vld [tilespmem:s17+$0x60];
	v15 =	vmul.f32 $3.200000000e+01, v15;
	[tilespmem:s16+$0x70] =	vst v17  }
0x1b1: {  	v10 =	vadd.f32 v11, v10;
	v56 =	vmul.f32 $3.200000000e+01, v13;
	v57 =	vld [tilespmem:s17+$0x70]  }
0x1b2: {  	v9 =	vadd.f32 v15, v9;
	v12 =	vmul.f32 $3.200000000e+01, v12  }
0x1b3: {  	[tilespmem:s17+$0x0] =	vst v10;
	v5 =	vadd.f32 v56, v5;
	v58 =	vmul.f32 $3.200000000e+01, v14  }
0x1b4: {  	s23 =	sadd.s32 $0x1, s23;
	[tilespmem:s17+$0x10] =	vst v9;
	v6 =	vadd.f32 v12, v6;
	v59 =	vmul.f32 $3.200000000e+01, v18  }
0x1b5: {  	p0 =	sne.s32 s23, $0x8;
	[tilespmem:s17+$0x20] =	vst v5;
	v60 =	vadd.f32 v58, v7;
	v61 =	vmul.f32 $3.200000000e+01, v16  }
.Ltmp7:
0x1b6: {  	[tilespmem:s17+$0x30] =	vst v6;
	v62 =	vadd.f32 v59, v8;
	v63 =	vmul.f32 $3.200000000e+01, v57;
	(pc) =	sbr.rel @p0 .LBB2_14-.Ltmp7, $4  }
0x1b7: {  	[tilespmem:s17+$0x40] =	vst v60;
	v3 =	vadd.f32 v61, v3  }
0x1b8: {  	[tilespmem:s17+$0x50] =	vst v62;
	v4 =	vadd.f32 v63, v4  }
0x1b9: {  	[tilespmem:s17+$0x60] =	vst v3  }
0x1ba: {  	[tilespmem:s17+$0x70] =	vst v4  }
0x1bb: {  	s20 =	simm.s32 $0x480  }
0x1bc: {  	[hbm4b:s12+s28] =	stream.strided.scatter [tilespmem:s20], [sflag:$0x2], $0x400, s30, s28, $0x38;
	[tilespmem:$0x1C480] =	vst v63  }
0x1bd: {  	s3 =	sadd.s32 $0x10, s12;
	s15 =	simm.s32 $0x880  }
0x1be: {  	[hbm4b:s3+s28] =	stream.strided.scatter [tilespmem:s15], [sflag:$0x2], $0x400, s30, s28, $0x38;
	[tilespmem:$0x1C480] =	vst v63  }
0x1bf: {  	s23 =	sadd.s32 $0x20, s12  }
0x1c0: {  	[hbm4b:s23+s28] =	stream.strided.scatter [tilespmem:s24], [sflag:$0x2], $0x400, s30, s28, $0x38;
	[tilespmem:$0x1C480] =	vst v63  }
0x1c1: {  	s16 =	simm.s32 $0x1080;
	s15 =	sadd.s32 $0x30, s12  }
0x1c2: {  	[hbm4b:s15+s28] =	stream.strided.scatter [tilespmem:s16], [sflag:$0x2], $0x400, s30, s28, $0x38;
	[tilespmem:$0x1C480] =	vst v63  }
0x1c3: {  	s17 =	sadd.s32 $0x40, s12  }
0x1c4: {  	[hbm4b:s17+s28] =	stream.strided.scatter [tilespmem:s25], [sflag:$0x2], $0x400, s30, s28, $0x38;
	[tilespmem:$0x1C480] =	vst v63  }
0x1c5: {  	s18 =	sadd.s32 $0x50, s12;
	s19 =	simm.s32 $0x1880  }
0x1c6: {  	[hbm4b:s18+s28] =	stream.strided.scatter [tilespmem:s19], [sflag:$0x2], $0x400, s30, s28, $0x38;
	[tilespmem:$0x1C480] =	vst v63  }
0x1c7: {  	s23 =	sadd.s32 $0x60, s12  }
0x1c8: {  	[hbm4b:s23+s28] =	stream.strided.scatter [tilespmem:s26], [sflag:$0x2], $0x400, s30, s28, $0x38;
	[tilespmem:$0x1C480] =	vst v63  }
0x1c9: {  	s15 =	sadd.s32 $0x70, s12;
	s16 =	simm.s32 $0x2080  }
0x1ca: {  	[hbm4b:s15+s28] =	stream.strided.scatter [tilespmem:s16], [sflag:$0x2], $0x400, s30, s28, $0x38;
	[tilespmem:$0x1C480] =	vst v63  }
0x1cb: {  	s17 =	sadd.s32 $0x400, s12;
	s15 =	simm.s32 $0x2480  }
0x1cc: {  	[hbm4b:s17+s28] =	stream.strided.scatter [tilespmem:s15], [sflag:$0x2], $0x400, s30, s28, $0x38;
	[tilespmem:$0x1C480] =	vst v63  }
0x1cd: {  	s18 =	sadd.s32 $0x410, s12  }
0x1ce: {  	[hbm4b:s18+s28] =	stream.strided.scatter [tilespmem:s21], [sflag:$0x2], $0x400, s30, s28, $0x38;
	[tilespmem:$0x1C480] =	vst v63  }
0x1cf: {  	s19 =	sadd.s32 $0x420, s12;
	s16 =	simm.s32 $0x2C80  }
0x1d0: {  	[hbm4b:s19+s28] =	stream.strided.scatter [tilespmem:s16], [sflag:$0x2], $0x400, s30, s28, $0x38;
	[tilespmem:$0x1C480] =	vst v63  }
0x1d1: {  	s21 =	sadd.s32 $0x430, s12  }
0x1d2: {  	[hbm4b:s21+s28] =	stream.strided.scatter [tilespmem:s22], [sflag:$0x2], $0x400, s30, s28, $0x38;
	[tilespmem:$0x1C480] =	vst v63  }
0x1d3: {  	s17 =	simm.s32 $0x3480;
	s22 =	sadd.s32 $0x440, s12  }
0x1d4: {  	[hbm4b:s22+s28] =	stream.strided.scatter [tilespmem:s17], [sflag:$0x2], $0x400, s30, s28, $0x38;
	[tilespmem:$0x1C480] =	vst v63  }
0x1d5: {  	s23 =	sadd.s32 $0x450, s12;
	s18 =	simm.s32 $0x3880  }
0x1d6: {  	[hbm4b:s23+s28] =	stream.strided.scatter [tilespmem:s18], [sflag:$0x2], $0x400, s30, s28, $0x38;
	[tilespmem:$0x1C480] =	vst v63  }
0x1d7: {  	s18 =	sadd.s32 $0x460, s12  }
0x1d8: {  	[hbm4b:s18+s28] =	stream.strided.scatter [tilespmem:s6], [sflag:$0x2], $0x400, s30, s28, $0x38;
	[tilespmem:$0x1C480] =	vst v63  }
0x1d9: {  	s19 =	sadd.s32 $0x470, s12;
	s21 =	simm.s32 $0x4080;
	s22 =	simm.s32 $0x2  }
0x1da: {  	[hbm4b:s19+s28] =	stream.strided.scatter [tilespmem:s21], [sflag:$0x2], $0x400, s30, s28, $0x38;
	[tilespmem:$0x1C480] =	vst v63  }
0x1db: {  	_ =	swait.ge [sflag:s22], $0x4000  }
0x1dc: {  	[sflag:s22] =	ssyncset.done $0x0  }
0x1dd: {  	[sflag:s22] =	ssyncadd.s32 $0xFFFFC000  }
0x1de: {  	_ =	swait.ge [sflag:s13], $0x8000  }
0x1df: {  	[sflag:s13] =	ssyncset.done $0x0  }
0x1e0: {  	[sflag:s13] =	ssyncadd.s32 $0xFFFF8000  }
0x1e1: {  	_ =	swait.ge [sflag:s31], $0x8000  }
0x1e2: {  	[sflag:s31] =	ssyncset.done $0x0  }
0x1e3: {  	[sflag:s31] =	ssyncadd.s32 $0xFFFF8000  }
0x1e4: {  	_ =	swait.ge [sflag:s0], $0x8000  }
0x1e5: {  	s1 =	sadd.s32 $0x1, s1;
	s23 =	rddreg [dreg:$0x6]  }
0x1e6: {  	p0 =	sne.s32 s1, s23  }
.Ltmp8:
0x1e7: {  	_ = 	snop;
	(pc) =	sbr.rel @p0 .LBB2_1-.Ltmp8, $3  }
0x1e8: {  	_ =	sdelay $0x1  }
0x1e9: {  	[sflag:s0] =	ssyncset.done $0x0  }
0x1ea: {  	[sflag:s0] =	ssyncadd.s32 $0xFFFF8000  }
0x1eb: {  	_ =	sfence.sel $0x180000  }
0x1ec: {  	[bflag:$0x0] =	sbarrier.arrive $0xFFFF  }
0x1ed: {  	_ =	strace $0x90000047  }
0x1ee: {  	s0 =	stileid.u32;
	[bflag:$0x2] =	sbarrier.arrive $0xFFFF  }
0x1ef: {  	p0 =	sne.s32 s0, $0x0;
	s0 =	rddreg [dreg:$0x4]  }
0x1f0: {  	s0 =	sadd.s32 @!p0 $0x100000, s0  }
0x1f1: {  	[sflag:s0] =	ssyncadd.tile.s32 @!p0 $0x1;
	_ =	shalt  }
.Lfunc_end2:
_tile_overlayer_lowered:
.L_overlay_start_2:
0x1f2: {  	(tag) =	ssettag $0x2  }
0x1f3: {  	s0 =	rddreg [dreg:$0x0];
	s2 =	stileid.u32  }
0x1f4: {  	s1 =	rddreg [dreg:$0x1];
	p0 =	sne.s32 s2, $0x0  }
0x1f5: {  	s3 =	rddreg [dreg:$0x2];
	[bflag:$0x3] =	sbarrier.arrive $0xFFFF;
	s2 =	simm.s32 @!p0 $0x1C09  }
0x1f6: {  	[timem:s3], [sflag:s2] =	dma.local @!p0 [hbm:s0], s1  }
0x1f7: {  	s0 =	simm.s32 @!p0 $0x9  }
0x1f8: {  	_ =	swait.ge @!p0 [sflag:s0], s1  }
0x1f9: {  	s1 =	ssub.s32 @!p0 $0x0, s1;
	[sflag:s0] =	ssyncset.done @!p0 $0x0  }
0x1fa: {  	[sflag:s0] =	ssyncadd.s32 @!p0 s1  }
0x1fb: {  	[bflag:$0x3] =	sbarrier.arrive $0xFFFF  }
0x1fc: {  	_ =	shalt  }

</sc_bundles>
